<compile_context>
chip_gen: v7x
topology: tpu7x:2x2x1
jax: 0.10.2.dev20260603
libtpu: 0.0.44.dev20260713+nightly
codegen_flags: <defaults>
</compile_context>

<pallas_src>
import functools

import jax
import jax.numpy as jnp
from jax import lax
from jax.experimental import pallas as pl
from jax.experimental.pallas import tpu as pltpu
from jax.experimental.pallas import tpu_sc as plsc

_NC = 2
_NS = 16
_NW = _NC * _NS


@functools.lru_cache(maxsize=None)
def _make_seg_sum(n, e, h, with_count, chunk):
    epw = e // _NW
    nchunks = epw // chunk
    assert epw * _NW == e and nchunks * chunk == epw and chunk % 16 == 0
    assert n % 16 == 0
    rps = (n + _NS - 1) // _NS
    rps = (rps + 15) & ~15
    n_pad = rps * _NS

    mesh = plsc.VectorSubcoreMesh(core_axis_name="c", subcore_axis_name="s")

    out_type = [jax.ShapeDtypeStruct((_NC, n_pad, h), jnp.float32)]
    scratch = [
        pltpu.VMEM((epw,), jnp.int32),
        pltpu.VMEM((epw,), jnp.int32),
        pltpu.VMEM((chunk, h), jnp.float32),
        pltpu.VMEM((chunk, h), jnp.float32),
        pltpu.VMEM((rps, h), jnp.float32),
        pltpu.VMEM_SHARED((n_pad, h), jnp.float32),
        pltpu.SemaphoreType.DMA,
        pltpu.SemaphoreType.DMA,
        pltpu.SemaphoreType.DMA,
        pltpu.SemaphoreType.DMA,
    ]
    if with_count:
        out_type.append(jax.ShapeDtypeStruct((_NC, n_pad), jnp.float32))
        scratch.append(pltpu.VMEM((chunk,), jnp.float32))
        scratch.append(pltpu.VMEM((rps,), jnp.float32))
        scratch.append(pltpu.VMEM_SHARED((n_pad,), jnp.float32))
        scratch.append(pltpu.SemaphoreType.DMA)
        scratch.append(pltpu.SemaphoreType.DMA)

    def body(y_hbm, src_hbm, dst_hbm, *rest):
        if with_count:
            (out_hbm, cnt_hbm, src_v, dst_v, rv0, rv1, zer_v, acc_sh,
             gs0, gs1, ss0, ss1, ones_v, zc_v, cnt_sh, cs0, cs1) = rest
            csem = (cs0, cs1)
        else:
            (out_hbm, src_v, dst_v, rv0, rv1, zer_v, acc_sh,
             gs0, gs1, ss0, ss1) = rest
        rows_v = (rv0, rv1)
        gsem = (gs0, gs1)
        ssem = (ss0, ss1)
        c = lax.axis_index("c")
        s = lax.axis_index("s")
        wid = s * _NC + c
        base = wid * epw

        icp_s = pltpu.async_copy(src_hbm.at[pl.ds(base, epw)], src_v, ssem[0])
        icp_d = pltpu.async_copy(dst_hbm.at[pl.ds(base, epw)], dst_v, ssem[1])

        zrow = jnp.zeros((16,), jnp.float32)

        def zfill(i, _):
            zer_v[i, :] = zrow
            return 0

        lax.fori_loop(0, rps, zfill, 0)
        pltpu.sync_copy(zer_v, acc_sh.at[pl.ds(s * rps, rps), :])
        orow = jnp.ones((16,), jnp.float32)
        if with_count:
            def czfill(i, _):
                zc_v[pl.ds(i * 16, 16)] = zrow
                return 0

            def ofill(i, _):
                ones_v[pl.ds(i * 16, 16)] = orow
                return 0

            lax.fori_loop(0, rps // 16, czfill, 0)
            lax.fori_loop(0, chunk // 16, ofill, 0)
            pltpu.sync_copy(zc_v, cnt_sh.at[pl.ds(s * rps, rps)])
        plsc.subcore_barrier()
        icp_s.wait()
        icp_d.wait()

        def sl(ref, i):
            return ref.at[pl.ds(i * chunk, chunk)]

        gathers = [pltpu.async_copy(y_hbm.at[sl(src_v, 0)], rows_v[0],
                                    gsem[0]), None]
        scatters = [None, None]
        cscatters = [None, None]
        for i in range(nchunks):
            b = i % 2
            b1 = 1 - b
            gathers[b].wait()
            scatters[b] = pltpu.async_copy(rows_v[b],
                                           acc_sh.at[sl(dst_v, i)],
                                           ssem[b], add=True)
            if with_count:
                cscatters[b] = pltpu.async_copy(ones_v,
                                                cnt_sh.at[sl(dst_v, i)],
                                                csem[b], add=True)
            if i + 1 < nchunks:
                if scatters[b1] is not None:
                    scatters[b1].wait()
                    scatters[b1] = None
                if cscatters[b1] is not None:
                    cscatters[b1].wait()
                    cscatters[b1] = None
                gathers[b1] = pltpu.async_copy(y_hbm.at[sl(src_v, i + 1)],
                                               rows_v[b1], gsem[b1])
        for sc in scatters + cscatters:
            if sc is not None:
                sc.wait()
        plsc.subcore_barrier()

        pltpu.sync_copy(acc_sh.at[pl.ds(s * rps, rps), :],
                        out_hbm.at[c, pl.ds(s * rps, rps), :])
        if with_count:
            pltpu.sync_copy(cnt_sh.at[pl.ds(s * rps, rps)],
                            cnt_hbm.at[c, pl.ds(s * rps, rps)])

    return pl.kernel(body, out_type=out_type, mesh=mesh,
                     scratch_types=scratch,
                     compiler_params=pltpu.CompilerParams(
                         use_tc_tiling_on_sc=False))


def _dot_t(a, w):
    return lax.dot_general(a, w, (((1,), (1,)), ((), ())),
                           preferred_element_type=jnp.float32)


def _stage_a(x_ref, wl_ref, wr_ref, y1_ref, xr_ref):
    x = x_ref[...]
    y1_ref[...] = _dot_t(x, wl_ref[...])
    xr_ref[...] = _dot_t(x, wr_ref[...])


def _stage_b(n, s1_ref, cnt_ref, xr_ref, b1_ref, w2l_ref, w2r_ref,
             y2_ref, hr2_ref):
    cnt = jnp.maximum(cnt_ref[0, :n] + cnt_ref[1, :n], 1.0)[:, None]
    h1 = jax.nn.relu((s1_ref[0] + s1_ref[1]) / cnt + b1_ref[...]
                     + xr_ref[...])
    y2_ref[...] = _dot_t(h1, w2l_ref[...])
    hr2_ref[...] = _dot_t(h1, w2r_ref[...])


def _stage_c(n, s2_ref, cnt_ref, hr2_ref, b2_ref, wout_ref, bout_ref,
             out_ref):
    cnt = jnp.maximum(cnt_ref[0, :n] + cnt_ref[1, :n], 1.0)[:, None]
    h2 = jax.nn.relu((s2_ref[0] + s2_ref[1]) / cnt + b2_ref[...]
                     + hr2_ref[...])
    logits = _dot_t(h2, wout_ref[...]) + bout_ref[...]
    m = jnp.max(logits, axis=-1, keepdims=True)
    lse = jnp.log(jnp.sum(jnp.exp(logits - m), axis=-1, keepdims=True)) + m
    out_ref[...] = logits - lse


def kernel(x, edge_index, W1l, b1, W1r, W2l, b2, W2r, Wout, bout):
    n, d = x.shape
    e = edge_index.shape[1]
    h = W1l.shape[0]
    c_out = Wout.shape[0]

    src = edge_index[0]
    dst = edge_index[1]
    b1r = b1.reshape(1, h)
    b2r = b2.reshape(1, h)
    boutr = bout.reshape(1, c_out)

    f32 = jnp.float32
    y1, xr = pl.pallas_call(
        _stage_a,
        out_shape=[jax.ShapeDtypeStruct((n, h), f32),
                   jax.ShapeDtypeStruct((n, h), f32)],
    )(x, W1l, W1r)

    seg1 = _make_seg_sum(n, e, h, True, 2000)
    s1, cnt = seg1(y1, src, dst)
    n_pad = s1.shape[1]

    def _full(shape):
        nd = len(shape)
        return pl.BlockSpec(shape, lambda i: (0,) * nd)

    acc_spec = pl.BlockSpec((2, n, h), lambda i: (0, 0, 0))
    cnt_spec = _full((2, n_pad))

    y2, hr2 = pl.pallas_call(
        functools.partial(_stage_b, n),
        grid=(1,),
        out_shape=[jax.ShapeDtypeStruct((n, h), f32),
                   jax.ShapeDtypeStruct((n, h), f32)],
        in_specs=[acc_spec, cnt_spec, _full((n, h)), _full((1, h)),
                  _full((h, h)), _full((h, h))],
        out_specs=[_full((n, h)), _full((n, h))],
    )(s1, cnt, xr, b1r, W2l, W2r)

    seg2 = _make_seg_sum(n, e, h, False, 2000)
    (s2,) = seg2(y2, src, dst)

    out = pl.pallas_call(
        functools.partial(_stage_c, n),
        grid=(1,),
        out_shape=jax.ShapeDtypeStruct((n, c_out), f32),
        in_specs=[acc_spec, cnt_spec, _full((n, h)), _full((1, h)),
                  _full((c_out, h)), _full((1, c_out))],
        out_specs=_full((n, c_out)),
    )(s2, cnt, hr2, b2r, Wout, boutr)
    return out

# --- scband reference (transcript-rebuilt; emitter-appended) ---
"""Pipeline reference for scband-graph-sage-16200616640670 (READ-ONLY COPY).

The authoritative reference and input builder live on the scoring server;
editing this copy changes nothing except your own understanding.
"""

import jax, jax.numpy as jnp
import numpy as np

N = 10000
E = 320000
D = 128
H = 16
C = 40

def _sage_conv(x, edge_index, Wl, bl, Wr):
    # PyG SAGEConv (mean aggr): out = lin_l(mean_{j in N(i)} x_j) + lin_r(x_i)
    src = edge_index[0]
    dst = edge_index[1]
    msg = jnp.take(x, src, axis=0)
    s = jax.ops.segment_sum(msg, dst, num_segments=x.shape[0])
    cnt = jax.ops.segment_sum(jnp.ones((edge_index.shape[1],), x.dtype), dst, num_segments=x.shape[0])
    mean = s / jnp.clip(cnt, 1.0)[:, None]
    return mean @ Wl.T + bl + x @ Wr.T

def setup_inputs(seed: int = 0) -> dict:
    key = jax.random.key(seed)
    ks = jax.random.split(key, 12)
    def glorot(k, shape, fan_in):
        return (jax.random.normal(k, shape, dtype=jnp.float32) * (1.0 / np.sqrt(fan_in))).astype(jnp.float32)
    x = jax.random.normal(ks[0], (N, D), dtype=jnp.float32)
    edge_index = jax.random.randint(ks[1], (2, E), 0, N, dtype=jnp.int32)
    W1l = glorot(ks[2], (H, D), D)
    b1 = jnp.zeros((H,), jnp.float32)
    W1r = glorot(ks[3], (H, D), D)
    W2l = glorot(ks[4], (H, H), H)
    b2 = jnp.zeros((H,), jnp.float32)
    W2r = glorot(ks[5], (H, H), H)
    Wout = glorot(ks[6], (C, H), H)
    bout = jnp.zeros((C,), jnp.float32)
    return {"x": x, "edge_index": edge_index, "W1l": W1l, "b1": b1, "W1r": W1r,
            "W2l": W2l, "b2": b2, "W2r": W2r, "Wout": Wout, "bout": bout}

def reference(x, edge_index, W1l, b1, W1r, W2l, b2, W2r, Wout, bout):
    h = jax.nn.relu(_sage_conv(x, edge_index, W1l, b1, W1r))
    h = jax.nn.relu(_sage_conv(h, edge_index, W2l, b2, W2r))
    # dropout p=0.5 is identity in eval mode
    logits = h @ Wout.T + bout
    return jax.nn.log_softmax(logits, axis=-1)

if __name__ == "__main__":
    import jax
    _d = setup_inputs()
    print(jax.jit(kernel)(*tuple(_d.values())))

</pallas_src>

<mosaic_0001>
#map = affine_map<(d0, d1) -> (0, 0)>
#map1 = affine_map<(d0, d1) -> (0)>
#map2 = affine_map<(d0, d1) -> (0, 0, 0)>
module attributes {stable_mosaic.version = 14 : i64} {
  func.func @body(%arg0: i32, %arg1: i32, %arg2: memref<10000x16xf32, #tpu.memory_space<hbm>>, %arg3: memref<320000xi32, #tpu.memory_space<hbm>>, %arg4: memref<320000xi32, #tpu.memory_space<hbm>>, %arg5: memref<2x10240x16xf32, #tpu.memory_space<hbm>>, %arg6: memref<2x10240xf32, #tpu.memory_space<hbm>>, %arg7: memref<10000xi32, #tpu.memory_space<vmem>>, %arg8: memref<10000xi32, #tpu.memory_space<vmem>>, %arg9: memref<2000x16xf32, #tpu.memory_space<vmem>>, %arg10: memref<2000x16xf32, #tpu.memory_space<vmem>>, %arg11: memref<640x16xf32, #tpu.memory_space<vmem>>, %arg12: memref<10240x16xf32, #tpu.memory_space<vmem_shared>>, %arg13: memref<!tpu.dma_semaphore, #tpu.memory_space<semaphore_mem>>, %arg14: memref<!tpu.dma_semaphore, #tpu.memory_space<semaphore_mem>>, %arg15: memref<!tpu.dma_semaphore, #tpu.memory_space<semaphore_mem>>, %arg16: memref<!tpu.dma_semaphore, #tpu.memory_space<semaphore_mem>>, %arg17: memref<2000xf32, #tpu.memory_space<vmem>>, %arg18: memref<640xf32, #tpu.memory_space<vmem>>, %arg19: memref<10240xf32, #tpu.memory_space<vmem_shared>>, %arg20: memref<!tpu.dma_semaphore, #tpu.memory_space<semaphore_mem>>, %arg21: memref<!tpu.dma_semaphore, #tpu.memory_space<semaphore_mem>>) attributes {dimension_semantics = [#tpu.dimension_semantics<core_parallel>, #tpu.dimension_semantics<subcore_parallel>], iteration_bounds = array<i64: 2, 16>, scalar_prefetch = 0 : i64, scratch_operands = 15 : i64, tpu.core_type = #tpu.core_type<sc_vector_subcore>, window_params = [{transform_indices = #map}, {transform_indices = #map1}, {transform_indices = #map1}, {transform_indices = #map2}, {transform_indices = #map}]} {
    %mul3A = arith.constant 2 : i32
    %mul3A_0 = arith.muli %arg1, %mul3A : i32
    %add3A = arith.addi %mul3A_0, %arg0 : i32
    %mul3A_1 = arith.constant 10000 : i32
    %mul3A_2 = arith.muli %add3A, %mul3A_1 : i32
    %dma_start3A = tpu.memref_slice %arg3[%mul3A_2] : memref<320000xi32, #tpu.memory_space<hbm>> -> memref<10000xi32, #tpu.memory_space<hbm>>
    %dma_start3A_3 = tpu.memref_slice %arg3[%mul3A_2] : memref<320000xi32, #tpu.memory_space<hbm>> -> memref<10000xi32, #tpu.memory_space<hbm>>
    tpu.enqueue_dma source(%dma_start3A_3 : memref<10000xi32, #tpu.memory_space<hbm>>) target(%arg7 : memref<10000xi32, #tpu.memory_space<vmem>>) target_semaphore(%arg15 : memref<!tpu.dma_semaphore, #tpu.memory_space<semaphore_mem>>)
    %dma_start3A_4 = tpu.memref_slice %arg4[%mul3A_2] : memref<320000xi32, #tpu.memory_space<hbm>> -> memref<10000xi32, #tpu.memory_space<hbm>>
    %dma_start3A_5 = tpu.memref_slice %arg4[%mul3A_2] : memref<320000xi32, #tpu.memory_space<hbm>> -> memref<10000xi32, #tpu.memory_space<hbm>>
    tpu.enqueue_dma source(%dma_start3A_5 : memref<10000xi32, #tpu.memory_space<hbm>>) target(%arg8 : memref<10000xi32, #tpu.memory_space<vmem>>) target_semaphore(%arg16 : memref<!tpu.dma_semaphore, #tpu.memory_space<semaphore_mem>>)
    %broadcast_in_dim3A = arith.constant 0.000000e+00 : f32
    %broadcast_in_dim3A_6 = vector.broadcast %broadcast_in_dim3A : f32 to vector<16xf32>
    %scan3A = arith.constant 0 : i32
    %scan3A_7 = arith.constant 0 : i32
    %scan3A_8 = arith.constant 640 : i32
    %scan3A_9 = arith.addi %scan3A_7, %scan3A_8 : i32
    %scan3A_10 = arith.constant 1 : i32
    %scan3A_11 = scf.for %scan3A_185 = %scan3A_7 to %scan3A_9 step %scan3A_10 iter_args(%scan3A_186 = %scan3A) -> (i32)  : i32 {
      %swap3A = arith.index_cast %scan3A_185 : i32 to index
      %swap3A_187 = arith.constant 0 : index
      %swap3A_188 = tpu.vector_load %arg11[%swap3A, %swap3A_187] {strides = array<i32>} : memref<640x16xf32, #tpu.memory_space<vmem>>, vector<1x16xf32>,
      %swap3A_189 = vector.shape_cast %swap3A_188 : vector<1x16xf32> to vector<16xf32>
      %swap3A_190 = vector.shape_cast %broadcast_in_dim3A_6 : vector<16xf32> to vector<1x16xf32>
      tpu.vector_store %arg11[%swap3A, %swap3A_187], %swap3A_190 {strides = array<i32>} : memref<640x16xf32, #tpu.memory_space<vmem>>, vector<1x16xf32>,
      %scan3A_191 = arith.constant 0 : i32
      scf.yield %scan3A_191 : i32
    }
    %scan3A_12 = arith.constant 640 : i32
    %mul3A_13 = arith.constant 640 : i32
    %mul3A_14 = arith.muli %arg1, %mul3A_13 : i32
    "tpu.region"() ({
      %run_scoped3A = tpu.sem_alloc : memref<!tpu.dma_semaphore, #tpu.memory_space<semaphore_mem>>
      %dma_start3A_185 = arith.constant 0 : i32
      %dma_start3A_186 = tpu.memref_slice %arg12[%mul3A_14, %dma_start3A_185] : memref<10240x16xf32, #tpu.memory_space<vmem_shared>> -> memref<640x16xf32, #tpu.memory_space<vmem_shared>>
      %dma_start3A_187 = arith.constant 0 : i32
      %dma_start3A_188 = tpu.memref_slice %arg12[%mul3A_14, %dma_start3A_187] : memref<10240x16xf32, #tpu.memory_space<vmem_shared>> -> memref<640x16xf32, #tpu.memory_space<vmem_shared>>
      tpu.enqueue_dma source(%arg11 : memref<640x16xf32, #tpu.memory_space<vmem>>) target(%dma_start3A_188 : memref<640x16xf32, #tpu.memory_space<vmem_shared>>) target_semaphore(%run_scoped3A : memref<!tpu.dma_semaphore, #tpu.memory_space<semaphore_mem>>)
      %dma_wait3A_189 = arith.constant 0 : i32
      %dma_wait3A_190 = tpu.memref_slice %arg12[%mul3A_14, %dma_wait3A_189] : memref<10240x16xf32, #tpu.memory_space<vmem_shared>> -> memref<640x16xf32, #tpu.memory_space<vmem_shared>>
      %dma_wait3A_191 = arith.constant 0 : i32
      %dma_wait3A_192 = tpu.memref_slice %arg12[%mul3A_14, %dma_wait3A_191] : memref<10240x16xf32, #tpu.memory_space<vmem_shared>> -> memref<640x16xf32, #tpu.memory_space<vmem_shared>>
      tpu.wait_dma2 semaphore(%run_scoped3A : memref<!tpu.dma_semaphore, #tpu.memory_space<semaphore_mem>>) src(%arg11 : memref<640x16xf32, #tpu.memory_space<vmem>>) dst(%dma_wait3A_192 : memref<640x16xf32, #tpu.memory_space<vmem_shared>>)
      tpu.yield
    }) : () -> ()
    %broadcast_in_dim3A_15 = arith.constant 1.000000e+00 : f32
    %broadcast_in_dim3A_16 = vector.broadcast %broadcast_in_dim3A_15 : f32 to vector<16xf32>
    %scan3A_17 = arith.constant 0 : i32
    %scan3A_18 = arith.constant 0 : i32
    %scan3A_19 = arith.constant 40 : i32
    %scan3A_20 = arith.addi %scan3A_18, %scan3A_19 : i32
    %scan3A_21 = arith.constant 1 : i32
    %scan3A_22 = scf.for %scan3A_185 = %scan3A_18 to %scan3A_20 step %scan3A_21 iter_args(%scan3A_186 = %scan3A_17) -> (i32)  : i32 {
      %mul3A_187 = arith.constant 16 : i32
      %mul3A_188 = arith.muli %scan3A_185, %mul3A_187 : i32
      %swap3A = arith.index_cast %mul3A_188 : i32 to index
      %swap3A_189 = tpu.vector_load %arg18[%swap3A] {strides = array<i32>} : memref<640xf32, #tpu.memory_space<vmem>>, vector<16xf32>,
      %swap3A_190 = vector.shape_cast %swap3A_189 : vector<16xf32> to vector<16xf32>
      %swap3A_191 = vector.shape_cast %broadcast_in_dim3A_6 : vector<16xf32> to vector<16xf32>
      tpu.vector_store %arg18[%swap3A], %swap3A_191 {strides = array<i32>} : memref<640xf32, #tpu.memory_space<vmem>>, vector<16xf32>,
      %scan3A_192 = arith.constant 0 : i32
      scf.yield %scan3A_192 : i32
    }
    %scan3A_23 = arith.constant 40 : i32
    %scan3A_24 = arith.constant 0 : i32
    %scan3A_25 = arith.constant 0 : i32
    %scan3A_26 = arith.constant 125 : i32
    %scan3A_27 = arith.addi %scan3A_25, %scan3A_26 : i32
    %scan3A_28 = arith.constant 1 : i32
    %scan3A_29 = scf.for %scan3A_185 = %scan3A_25 to %scan3A_27 step %scan3A_28 iter_args(%scan3A_186 = %scan3A_24) -> (i32)  : i32 {
      %mul3A_187 = arith.constant 16 : i32
      %mul3A_188 = arith.muli %scan3A_185, %mul3A_187 : i32
      %swap3A = arith.index_cast %mul3A_188 : i32 to index
      %swap3A_189 = tpu.vector_load %arg17[%swap3A] {strides = array<i32>} : memref<2000xf32, #tpu.memory_space<vmem>>, vector<16xf32>,
      %swap3A_190 = vector.shape_cast %swap3A_189 : vector<16xf32> to vector<16xf32>
      %swap3A_191 = vector.shape_cast %broadcast_in_dim3A_16 : vector<16xf32> to vector<16xf32>
      tpu.vector_store %arg17[%swap3A], %swap3A_191 {strides = array<i32>} : memref<2000xf32, #tpu.memory_space<vmem>>, vector<16xf32>,
      %scan3A_192 = arith.constant 0 : i32
      scf.yield %scan3A_192 : i32
    }
    %scan3A_30 = arith.constant 125 : i32
    %mul3A_31 = arith.constant 640 : i32
    %mul3A_32 = arith.muli %arg1, %mul3A_31 : i32
    "tpu.region"() ({
      %run_scoped3A = tpu.sem_alloc : memref<!tpu.dma_semaphore, #tpu.memory_space<semaphore_mem>>
      %dma_start3A_185 = tpu.memref_slice %arg19[%mul3A_32] : memref<10240xf32, #tpu.memory_space<vmem_shared>> -> memref<640xf32, #tpu.memory_space<vmem_shared>>
      %dma_start3A_186 = tpu.memref_slice %arg19[%mul3A_32] : memref<10240xf32, #tpu.memory_space<vmem_shared>> -> memref<640xf32, #tpu.memory_space<vmem_shared>>
      tpu.enqueue_dma source(%arg18 : memref<640xf32, #tpu.memory_space<vmem>>) target(%dma_start3A_186 : memref<640xf32, #tpu.memory_space<vmem_shared>>) target_semaphore(%run_scoped3A : memref<!tpu.dma_semaphore, #tpu.memory_space<semaphore_mem>>)
      %dma_wait3A_187 = tpu.memref_slice %arg19[%mul3A_32] : memref<10240xf32, #tpu.memory_space<vmem_shared>> -> memref<640xf32, #tpu.memory_space<vmem_shared>>
      %dma_wait3A_188 = tpu.memref_slice %arg19[%mul3A_32] : memref<10240xf32, #tpu.memory_space<vmem_shared>> -> memref<640xf32, #tpu.memory_space<vmem_shared>>
      tpu.wait_dma2 semaphore(%run_scoped3A : memref<!tpu.dma_semaphore, #tpu.memory_space<semaphore_mem>>) src(%arg18 : memref<640xf32, #tpu.memory_space<vmem>>) dst(%dma_wait3A_188 : memref<640xf32, #tpu.memory_space<vmem_shared>>)
      tpu.yield
    }) : () -> ()
    %barrier3A = arith.constant 0 : index
    tpu.barrier barrier_id(%barrier3A)
    %dma_wait3A = tpu.memref_slice %arg3[%mul3A_2] : memref<320000xi32, #tpu.memory_space<hbm>> -> memref<10000xi32, #tpu.memory_space<hbm>>
    %dma_wait3A_33 = tpu.memref_slice %arg3[%mul3A_2] : memref<320000xi32, #tpu.memory_space<hbm>> -> memref<10000xi32, #tpu.memory_space<hbm>>
    tpu.wait_dma2 semaphore(%arg15 : memref<!tpu.dma_semaphore, #tpu.memory_space<semaphore_mem>>) src(%dma_wait3A_33 : memref<10000xi32, #tpu.memory_space<hbm>>) dst(%arg7 : memref<10000xi32, #tpu.memory_space<vmem>>)
    %dma_wait3A_34 = tpu.memref_slice %arg4[%mul3A_2] : memref<320000xi32, #tpu.memory_space<hbm>> -> memref<10000xi32, #tpu.memory_space<hbm>>
    %dma_wait3A_35 = tpu.memref_slice %arg4[%mul3A_2] : memref<320000xi32, #tpu.memory_space<hbm>> -> memref<10000xi32, #tpu.memory_space<hbm>>
    tpu.wait_dma2 semaphore(%arg16 : memref<!tpu.dma_semaphore, #tpu.memory_space<semaphore_mem>>) src(%dma_wait3A_35 : memref<10000xi32, #tpu.memory_space<hbm>>) dst(%arg8 : memref<10000xi32, #tpu.memory_space<vmem>>)
    %dma_start3A_36 = arith.constant 0 : i32
    %dma_start3A_37 = tpu.memref_slice %arg7[%dma_start3A_36] : memref<10000xi32, #tpu.memory_space<vmem>> -> memref<2000xi32, #tpu.memory_space<vmem>>
    %dma_start3A_38 = arith.constant 0 : i32
    %dma_start3A_39 = arith.constant 0 : i32
    %dma_start3A_40 = tpu.memref_slice %arg2[%dma_start3A_38, %dma_start3A_39] : memref<10000x16xf32, #tpu.memory_space<hbm>> -> memref<10000x16xf32, #tpu.memory_space<hbm>>
    tpu.enqueue_indirect_dma source(%dma_start3A_40 : memref<10000x16xf32, #tpu.memory_space<hbm>>) target(%arg9 : memref<2000x16xf32, #tpu.memory_space<vmem>>) offsets(%dma_start3A_37 : memref<2000xi32, #tpu.memory_space<vmem>>) semaphore(%arg13 : memref<!tpu.dma_semaphore, #tpu.memory_space<semaphore_mem>>)
    %dma_wait3A_41 = arith.constant 0 : i32
    %dma_wait3A_42 = tpu.memref_slice %arg7[%dma_wait3A_41] : memref<10000xi32, #tpu.memory_space<vmem>> -> memref<2000xi32, #tpu.memory_space<vmem>>
    %dma_wait3A_43 = arith.constant 0 : i32
    %dma_wait3A_44 = arith.constant 0 : i32
    %dma_wait3A_45 = tpu.memref_slice %arg2[%dma_wait3A_43, %dma_wait3A_44] : memref<10000x16xf32, #tpu.memory_space<hbm>> -> memref<10000x16xf32, #tpu.memory_space<hbm>>
    tpu.wait_indirect_dma semaphore(%arg13 : memref<!tpu.dma_semaphore, #tpu.memory_space<semaphore_mem>>) src(%dma_wait3A_45 : memref<10000x16xf32, #tpu.memory_space<hbm>>) dst(%arg9 : memref<2000x16xf32, #tpu.memory_space<vmem>>)
    %dma_start3A_46 = arith.constant 0 : i32
    %dma_start3A_47 = tpu.memref_slice %arg8[%dma_start3A_46] : memref<10000xi32, #tpu.memory_space<vmem>> -> memref<2000xi32, #tpu.memory_space<vmem>>
    %dma_start3A_48 = arith.constant 0 : i32
    %dma_start3A_49 = arith.constant 0 : i32
    %dma_start3A_50 = tpu.memref_slice %arg12[%dma_start3A_48, %dma_start3A_49] : memref<10240x16xf32, #tpu.memory_space<vmem_shared>> -> memref<10240x16xf32, #tpu.memory_space<vmem_shared>>
    tpu.enqueue_indirect_dma source(%arg9 : memref<2000x16xf32, #tpu.memory_space<vmem>>) target(%dma_start3A_50 : memref<10240x16xf32, #tpu.memory_space<vmem_shared>>) offsets(%dma_start3A_47 : memref<2000xi32, #tpu.memory_space<vmem>>) semaphore(%arg15 : memref<!tpu.dma_semaphore, #tpu.memory_space<semaphore_mem>>) {add = true}
    %dma_start3A_51 = arith.constant 0 : i32
    %dma_start3A_52 = tpu.memref_slice %arg8[%dma_start3A_51] : memref<10000xi32, #tpu.memory_space<vmem>> -> memref<2000xi32, #tpu.memory_space<vmem>>
    %dma_start3A_53 = arith.constant 0 : i32
    %dma_start3A_54 = tpu.memref_slice %arg19[%dma_start3A_53] : memref<10240xf32, #tpu.memory_space<vmem_shared>> -> memref<10240xf32, #tpu.memory_space<vmem_shared>>
    tpu.enqueue_indirect_dma source(%arg17 : memref<2000xf32, #tpu.memory_space<vmem>>) target(%dma_start3A_54 : memref<10240xf32, #tpu.memory_space<vmem_shared>>) offsets(%dma_start3A_52 : memref<2000xi32, #tpu.memory_space<vmem>>) semaphore(%arg20 : memref<!tpu.dma_semaphore, #tpu.memory_space<semaphore_mem>>) {add = true}
    %dma_start3A_55 = arith.constant 2000 : i32
    %dma_start3A_56 = tpu.memref_slice %arg7[%dma_start3A_55] : memref<10000xi32, #tpu.memory_space<vmem>> -> memref<2000xi32, #tpu.memory_space<vmem>>
    %dma_start3A_57 = arith.constant 0 : i32
    %dma_start3A_58 = arith.constant 0 : i32
    %dma_start3A_59 = tpu.memref_slice %arg2[%dma_start3A_57, %dma_start3A_58] : memref<10000x16xf32, #tpu.memory_space<hbm>> -> memref<10000x16xf32, #tpu.memory_space<hbm>>
    tpu.enqueue_indirect_dma source(%dma_start3A_59 : memref<10000x16xf32, #tpu.memory_space<hbm>>) target(%arg10 : memref<2000x16xf32, #tpu.memory_space<vmem>>) offsets(%dma_start3A_56 : memref<2000xi32, #tpu.memory_space<vmem>>) semaphore(%arg14 : memref<!tpu.dma_semaphore, #tpu.memory_space<semaphore_mem>>)
    %dma_wait3A_60 = arith.constant 2000 : i32
    %dma_wait3A_61 = tpu.memref_slice %arg7[%dma_wait3A_60] : memref<10000xi32, #tpu.memory_space<vmem>> -> memref<2000xi32, #tpu.memory_space<vmem>>
    %dma_wait3A_62 = arith.constant 0 : i32
    %dma_wait3A_63 = arith.constant 0 : i32
    %dma_wait3A_64 = tpu.memref_slice %arg2[%dma_wait3A_62, %dma_wait3A_63] : memref<10000x16xf32, #tpu.memory_space<hbm>> -> memref<10000x16xf32, #tpu.memory_space<hbm>>
    tpu.wait_indirect_dma semaphore(%arg14 : memref<!tpu.dma_semaphore, #tpu.memory_space<semaphore_mem>>) src(%dma_wait3A_64 : memref<10000x16xf32, #tpu.memory_space<hbm>>) dst(%arg10 : memref<2000x16xf32, #tpu.memory_space<vmem>>)
    %dma_start3A_65 = arith.constant 2000 : i32
    %dma_start3A_66 = tpu.memref_slice %arg8[%dma_start3A_65] : memref<10000xi32, #tpu.memory_space<vmem>> -> memref<2000xi32, #tpu.memory_space<vmem>>
    %dma_start3A_67 = arith.constant 0 : i32
    %dma_start3A_68 = arith.constant 0 : i32
    %dma_start3A_69 = tpu.memref_slice %arg12[%dma_start3A_67, %dma_start3A_68] : memref<10240x16xf32, #tpu.memory_space<vmem_shared>> -> memref<10240x16xf32, #tpu.memory_space<vmem_shared>>
    tpu.enqueue_indirect_dma source(%arg10 : memref<2000x16xf32, #tpu.memory_space<vmem>>) target(%dma_start3A_69 : memref<10240x16xf32, #tpu.memory_space<vmem_shared>>) offsets(%dma_start3A_66 : memref<2000xi32, #tpu.memory_space<vmem>>) semaphore(%arg16 : memref<!tpu.dma_semaphore, #tpu.memory_space<semaphore_mem>>) {add = true}
    %dma_start3A_70 = arith.constant 2000 : i32
    %dma_start3A_71 = tpu.memref_slice %arg8[%dma_start3A_70] : memref<10000xi32, #tpu.memory_space<vmem>> -> memref<2000xi32, #tpu.memory_space<vmem>>
    %dma_start3A_72 = arith.constant 0 : i32
    %dma_start3A_73 = tpu.memref_slice %arg19[%dma_start3A_72] : memref<10240xf32, #tpu.memory_space<vmem_shared>> -> memref<10240xf32, #tpu.memory_space<vmem_shared>>
    tpu.enqueue_indirect_dma source(%arg17 : memref<2000xf32, #tpu.memory_space<vmem>>) target(%dma_start3A_73 : memref<10240xf32, #tpu.memory_space<vmem_shared>>) offsets(%dma_start3A_71 : memref<2000xi32, #tpu.memory_space<vmem>>) semaphore(%arg21 : memref<!tpu.dma_semaphore, #tpu.memory_space<semaphore_mem>>) {add = true}
    %dma_wait3A_74 = arith.constant 0 : i32
    %dma_wait3A_75 = tpu.memref_slice %arg8[%dma_wait3A_74] : memref<10000xi32, #tpu.memory_space<vmem>> -> memref<2000xi32, #tpu.memory_space<vmem>>
    %dma_wait3A_76 = arith.constant 0 : i32
    %dma_wait3A_77 = arith.constant 0 : i32
    %dma_wait3A_78 = tpu.memref_slice %arg12[%dma_wait3A_76, %dma_wait3A_77] : memref<10240x16xf32, #tpu.memory_space<vmem_shared>> -> memref<10240x16xf32, #tpu.memory_space<vmem_shared>>
    tpu.wait_indirect_dma semaphore(%arg15 : memref<!tpu.dma_semaphore, #tpu.memory_space<semaphore_mem>>) src(%arg9 : memref<2000x16xf32, #tpu.memory_space<vmem>>) dst(%dma_wait3A_78 : memref<10240x16xf32, #tpu.memory_space<vmem_shared>>)
    %dma_wait3A_79 = arith.constant 0 : i32
    %dma_wait3A_80 = tpu.memref_slice %arg8[%dma_wait3A_79] : memref<10000xi32, #tpu.memory_space<vmem>> -> memref<2000xi32, #tpu.memory_space<vmem>>
    %dma_wait3A_81 = arith.constant 0 : i32
    %dma_wait3A_82 = tpu.memref_slice %arg19[%dma_wait3A_81] : memref<10240xf32, #tpu.memory_space<vmem_shared>> -> memref<10240xf32, #tpu.memory_space<vmem_shared>>
    tpu.wait_indirect_dma semaphore(%arg20 : memref<!tpu.dma_semaphore, #tpu.memory_space<semaphore_mem>>) src(%arg17 : memref<2000xf32, #tpu.memory_space<vmem>>) dst(%dma_wait3A_82 : memref<10240xf32, #tpu.memory_space<vmem_shared>>)
    %dma_start3A_83 = arith.constant 4000 : i32
    %dma_start3A_84 = tpu.memref_slice %arg7[%dma_start3A_83] : memref<10000xi32, #tpu.memory_space<vmem>> -> memref<2000xi32, #tpu.memory_space<vmem>>
    %dma_start3A_85 = arith.constant 0 : i32
    %dma_start3A_86 = arith.constant 0 : i32
    %dma_start3A_87 = tpu.memref_slice %arg2[%dma_start3A_85, %dma_start3A_86] : memref<10000x16xf32, #tpu.memory_space<hbm>> -> memref<10000x16xf32, #tpu.memory_space<hbm>>
    tpu.enqueue_indirect_dma source(%dma_start3A_87 : memref<10000x16xf32, #tpu.memory_space<hbm>>) target(%arg9 : memref<2000x16xf32, #tpu.memory_space<vmem>>) offsets(%dma_start3A_84 : memref<2000xi32, #tpu.memory_space<vmem>>) semaphore(%arg13 : memref<!tpu.dma_semaphore, #tpu.memory_space<semaphore_mem>>)
    %dma_wait3A_88 = arith.constant 4000 : i32
    %dma_wait3A_89 = tpu.memref_slice %arg7[%dma_wait3A_88] : memref<10000xi32, #tpu.memory_space<vmem>> -> memref<2000xi32, #tpu.memory_space<vmem>>
    %dma_wait3A_90 = arith.constant 0 : i32
    %dma_wait3A_91 = arith.constant 0 : i32
    %dma_wait3A_92 = tpu.memref_slice %arg2[%dma_wait3A_90, %dma_wait3A_91] : memref<10000x16xf32, #tpu.memory_space<hbm>> -> memref<10000x16xf32, #tpu.memory_space<hbm>>
    tpu.wait_indirect_dma semaphore(%arg13 : memref<!tpu.dma_semaphore, #tpu.memory_space<semaphore_mem>>) src(%dma_wait3A_92 : memref<10000x16xf32, #tpu.memory_space<hbm>>) dst(%arg9 : memref<2000x16xf32, #tpu.memory_space<vmem>>)
    %dma_start3A_93 = arith.constant 4000 : i32
    %dma_start3A_94 = tpu.memref_slice %arg8[%dma_start3A_93] : memref<10000xi32, #tpu.memory_space<vmem>> -> memref<2000xi32, #tpu.memory_space<vmem>>
    %dma_start3A_95 = arith.constant 0 : i32
    %dma_start3A_96 = arith.constant 0 : i32
    %dma_start3A_97 = tpu.memref_slice %arg12[%dma_start3A_95, %dma_start3A_96] : memref<10240x16xf32, #tpu.memory_space<vmem_shared>> -> memref<10240x16xf32, #tpu.memory_space<vmem_shared>>
    tpu.enqueue_indirect_dma source(%arg9 : memref<2000x16xf32, #tpu.memory_space<vmem>>) target(%dma_start3A_97 : memref<10240x16xf32, #tpu.memory_space<vmem_shared>>) offsets(%dma_start3A_94 : memref<2000xi32, #tpu.memory_space<vmem>>) semaphore(%arg15 : memref<!tpu.dma_semaphore, #tpu.memory_space<semaphore_mem>>) {add = true}
    %dma_start3A_98 = arith.constant 4000 : i32
    %dma_start3A_99 = tpu.memref_slice %arg8[%dma_start3A_98] : memref<10000xi32, #tpu.memory_space<vmem>> -> memref<2000xi32, #tpu.memory_space<vmem>>
    %dma_start3A_100 = arith.constant 0 : i32
    %dma_start3A_101 = tpu.memref_slice %arg19[%dma_start3A_100] : memref<10240xf32, #tpu.memory_space<vmem_shared>> -> memref<10240xf32, #tpu.memory_space<vmem_shared>>
    tpu.enqueue_indirect_dma source(%arg17 : memref<2000xf32, #tpu.memory_space<vmem>>) target(%dma_start3A_101 : memref<10240xf32, #tpu.memory_space<vmem_shared>>) offsets(%dma_start3A_99 : memref<2000xi32, #tpu.memory_space<vmem>>) semaphore(%arg20 : memref<!tpu.dma_semaphore, #tpu.memory_space<semaphore_mem>>) {add = true}
    %dma_wait3A_102 = arith.constant 2000 : i32
    %dma_wait3A_103 = tpu.memref_slice %arg8[%dma_wait3A_102] : memref<10000xi32, #tpu.memory_space<vmem>> -> memref<2000xi32, #tpu.memory_space<vmem>>
    %dma_wait3A_104 = arith.constant 0 : i32
    %dma_wait3A_105 = arith.constant 0 : i32
    %dma_wait3A_106 = tpu.memref_slice %arg12[%dma_wait3A_104, %dma_wait3A_105] : memref<10240x16xf32, #tpu.memory_space<vmem_shared>> -> memref<10240x16xf32, #tpu.memory_space<vmem_shared>>
    tpu.wait_indirect_dma semaphore(%arg16 : memref<!tpu.dma_semaphore, #tpu.memory_space<semaphore_mem>>) src(%arg10 : memref<2000x16xf32, #tpu.memory_space<vmem>>) dst(%dma_wait3A_106 : memref<10240x16xf32, #tpu.memory_space<vmem_shared>>)
    %dma_wait3A_107 = arith.constant 2000 : i32
    %dma_wait3A_108 = tpu.memref_slice %arg8[%dma_wait3A_107] : memref<10000xi32, #tpu.memory_space<vmem>> -> memref<2000xi32, #tpu.memory_space<vmem>>
    %dma_wait3A_109 = arith.constant 0 : i32
    %dma_wait3A_110 = tpu.memref_slice %arg19[%dma_wait3A_109] : memref<10240xf32, #tpu.memory_space<vmem_shared>> -> memref<10240xf32, #tpu.memory_space<vmem_shared>>
    tpu.wait_indirect_dma semaphore(%arg21 : memref<!tpu.dma_semaphore, #tpu.memory_space<semaphore_mem>>) src(%arg17 : memref<2000xf32, #tpu.memory_space<vmem>>) dst(%dma_wait3A_110 : memref<10240xf32, #tpu.memory_space<vmem_shared>>)
    %dma_start3A_111 = arith.constant 6000 : i32
    %dma_start3A_112 = tpu.memref_slice %arg7[%dma_start3A_111] : memref<10000xi32, #tpu.memory_space<vmem>> -> memref<2000xi32, #tpu.memory_space<vmem>>
    %dma_start3A_113 = arith.constant 0 : i32
    %dma_start3A_114 = arith.constant 0 : i32
    %dma_start3A_115 = tpu.memref_slice %arg2[%dma_start3A_113, %dma_start3A_114] : memref<10000x16xf32, #tpu.memory_space<hbm>> -> memref<10000x16xf32, #tpu.memory_space<hbm>>
    tpu.enqueue_indirect_dma source(%dma_start3A_115 : memref<10000x16xf32, #tpu.memory_space<hbm>>) target(%arg10 : memref<2000x16xf32, #tpu.memory_space<vmem>>) offsets(%dma_start3A_112 : memref<2000xi32, #tpu.memory_space<vmem>>) semaphore(%arg14 : memref<!tpu.dma_semaphore, #tpu.memory_space<semaphore_mem>>)
    %dma_wait3A_116 = arith.constant 6000 : i32
    %dma_wait3A_117 = tpu.memref_slice %arg7[%dma_wait3A_116] : memref<10000xi32, #tpu.memory_space<vmem>> -> memref<2000xi32, #tpu.memory_space<vmem>>
    %dma_wait3A_118 = arith.constant 0 : i32
    %dma_wait3A_119 = arith.constant 0 : i32
    %dma_wait3A_120 = tpu.memref_slice %arg2[%dma_wait3A_118, %dma_wait3A_119] : memref<10000x16xf32, #tpu.memory_space<hbm>> -> memref<10000x16xf32, #tpu.memory_space<hbm>>
    tpu.wait_indirect_dma semaphore(%arg14 : memref<!tpu.dma_semaphore, #tpu.memory_space<semaphore_mem>>) src(%dma_wait3A_120 : memref<10000x16xf32, #tpu.memory_space<hbm>>) dst(%arg10 : memref<2000x16xf32, #tpu.memory_space<vmem>>)
    %dma_start3A_121 = arith.constant 6000 : i32
    %dma_start3A_122 = tpu.memref_slice %arg8[%dma_start3A_121] : memref<10000xi32, #tpu.memory_space<vmem>> -> memref<2000xi32, #tpu.memory_space<vmem>>
    %dma_start3A_123 = arith.constant 0 : i32
    %dma_start3A_124 = arith.constant 0 : i32
    %dma_start3A_125 = tpu.memref_slice %arg12[%dma_start3A_123, %dma_start3A_124] : memref<10240x16xf32, #tpu.memory_space<vmem_shared>> -> memref<10240x16xf32, #tpu.memory_space<vmem_shared>>
    tpu.enqueue_indirect_dma source(%arg10 : memref<2000x16xf32, #tpu.memory_space<vmem>>) target(%dma_start3A_125 : memref<10240x16xf32, #tpu.memory_space<vmem_shared>>) offsets(%dma_start3A_122 : memref<2000xi32, #tpu.memory_space<vmem>>) semaphore(%arg16 : memref<!tpu.dma_semaphore, #tpu.memory_space<semaphore_mem>>) {add = true}
    %dma_start3A_126 = arith.constant 6000 : i32
    %dma_start3A_127 = tpu.memref_slice %arg8[%dma_start3A_126] : memref<10000xi32, #tpu.memory_space<vmem>> -> memref<2000xi32, #tpu.memory_space<vmem>>
    %dma_start3A_128 = arith.constant 0 : i32
    %dma_start3A_129 = tpu.memref_slice %arg19[%dma_start3A_128] : memref<10240xf32, #tpu.memory_space<vmem_shared>> -> memref<10240xf32, #tpu.memory_space<vmem_shared>>
    tpu.enqueue_indirect_dma source(%arg17 : memref<2000xf32, #tpu.memory_space<vmem>>) target(%dma_start3A_129 : memref<10240xf32, #tpu.memory_space<vmem_shared>>) offsets(%dma_start3A_127 : memref<2000xi32, #tpu.memory_space<vmem>>) semaphore(%arg21 : memref<!tpu.dma_semaphore, #tpu.memory_space<semaphore_mem>>) {add = true}
    %dma_wait3A_130 = arith.constant 4000 : i32
    %dma_wait3A_131 = tpu.memref_slice %arg8[%dma_wait3A_130] : memref<10000xi32, #tpu.memory_space<vmem>> -> memref<2000xi32, #tpu.memory_space<vmem>>
    %dma_wait3A_132 = arith.constant 0 : i32
    %dma_wait3A_133 = arith.constant 0 : i32
    %dma_wait3A_134 = tpu.memref_slice %arg12[%dma_wait3A_132, %dma_wait3A_133] : memref<10240x16xf32, #tpu.memory_space<vmem_shared>> -> memref<10240x16xf32, #tpu.memory_space<vmem_shared>>
    tpu.wait_indirect_dma semaphore(%arg15 : memref<!tpu.dma_semaphore, #tpu.memory_space<semaphore_mem>>) src(%arg9 : memref<2000x16xf32, #tpu.memory_space<vmem>>) dst(%dma_wait3A_134 : memref<10240x16xf32, #tpu.memory_space<vmem_shared>>)
    %dma_wait3A_135 = arith.constant 4000 : i32
    %dma_wait3A_136 = tpu.memref_slice %arg8[%dma_wait3A_135] : memref<10000xi32, #tpu.memory_space<vmem>> -> memref<2000xi32, #tpu.memory_space<vmem>>
    %dma_wait3A_137 = arith.constant 0 : i32
    %dma_wait3A_138 = tpu.memref_slice %arg19[%dma_wait3A_137] : memref<10240xf32, #tpu.memory_space<vmem_shared>> -> memref<10240xf32, #tpu.memory_space<vmem_shared>>
    tpu.wait_indirect_dma semaphore(%arg20 : memref<!tpu.dma_semaphore, #tpu.memory_space<semaphore_mem>>) src(%arg17 : memref<2000xf32, #tpu.memory_space<vmem>>) dst(%dma_wait3A_138 : memref<10240xf32, #tpu.memory_space<vmem_shared>>)
    %dma_start3A_139 = arith.constant 8000 : i32
    %dma_start3A_140 = tpu.memref_slice %arg7[%dma_start3A_139] : memref<10000xi32, #tpu.memory_space<vmem>> -> memref<2000xi32, #tpu.memory_space<vmem>>
    %dma_start3A_141 = arith.constant 0 : i32
    %dma_start3A_142 = arith.constant 0 : i32
    %dma_start3A_143 = tpu.memref_slice %arg2[%dma_start3A_141, %dma_start3A_142] : memref<10000x16xf32, #tpu.memory_space<hbm>> -> memref<10000x16xf32, #tpu.memory_space<hbm>>
    tpu.enqueue_indirect_dma source(%dma_start3A_143 : memref<10000x16xf32, #tpu.memory_space<hbm>>) target(%arg9 : memref<2000x16xf32, #tpu.memory_space<vmem>>) offsets(%dma_start3A_140 : memref<2000xi32, #tpu.memory_space<vmem>>) semaphore(%arg13 : memref<!tpu.dma_semaphore, #tpu.memory_space<semaphore_mem>>)
    %dma_wait3A_144 = arith.constant 8000 : i32
    %dma_wait3A_145 = tpu.memref_slice %arg7[%dma_wait3A_144] : memref<10000xi32, #tpu.memory_space<vmem>> -> memref<2000xi32, #tpu.memory_space<vmem>>
    %dma_wait3A_146 = arith.constant 0 : i32
    %dma_wait3A_147 = arith.constant 0 : i32
    %dma_wait3A_148 = tpu.memref_slice %arg2[%dma_wait3A_146, %dma_wait3A_147] : memref<10000x16xf32, #tpu.memory_space<hbm>> -> memref<10000x16xf32, #tpu.memory_space<hbm>>
    tpu.wait_indirect_dma semaphore(%arg13 : memref<!tpu.dma_semaphore, #tpu.memory_space<semaphore_mem>>) src(%dma_wait3A_148 : memref<10000x16xf32, #tpu.memory_space<hbm>>) dst(%arg9 : memref<2000x16xf32, #tpu.memory_space<vmem>>)
    %dma_start3A_149 = arith.constant 8000 : i32
    %dma_start3A_150 = tpu.memref_slice %arg8[%dma_start3A_149] : memref<10000xi32, #tpu.memory_space<vmem>> -> memref<2000xi32, #tpu.memory_space<vmem>>
    %dma_start3A_151 = arith.constant 0 : i32
    %dma_start3A_152 = arith.constant 0 : i32
    %dma_start3A_153 = tpu.memref_slice %arg12[%dma_start3A_151, %dma_start3A_152] : memref<10240x16xf32, #tpu.memory_space<vmem_shared>> -> memref<10240x16xf32, #tpu.memory_space<vmem_shared>>
    tpu.enqueue_indirect_dma source(%arg9 : memref<2000x16xf32, #tpu.memory_space<vmem>>) target(%dma_start3A_153 : memref<10240x16xf32, #tpu.memory_space<vmem_shared>>) offsets(%dma_start3A_150 : memref<2000xi32, #tpu.memory_space<vmem>>) semaphore(%arg15 : memref<!tpu.dma_semaphore, #tpu.memory_space<semaphore_mem>>) {add = true}
    %dma_start3A_154 = arith.constant 8000 : i32
    %dma_start3A_155 = tpu.memref_slice %arg8[%dma_start3A_154] : memref<10000xi32, #tpu.memory_space<vmem>> -> memref<2000xi32, #tpu.memory_space<vmem>>
    %dma_start3A_156 = arith.constant 0 : i32
    %dma_start3A_157 = tpu.memref_slice %arg19[%dma_start3A_156] : memref<10240xf32, #tpu.memory_space<vmem_shared>> -> memref<10240xf32, #tpu.memory_space<vmem_shared>>
    tpu.enqueue_indirect_dma source(%arg17 : memref<2000xf32, #tpu.memory_space<vmem>>) target(%dma_start3A_157 : memref<10240xf32, #tpu.memory_space<vmem_shared>>) offsets(%dma_start3A_155 : memref<2000xi32, #tpu.memory_space<vmem>>) semaphore(%arg20 : memref<!tpu.dma_semaphore, #tpu.memory_space<semaphore_mem>>) {add = true}
    %dma_wait3A_158 = arith.constant 8000 : i32
    %dma_wait3A_159 = tpu.memref_slice %arg8[%dma_wait3A_158] : memref<10000xi32, #tpu.memory_space<vmem>> -> memref<2000xi32, #tpu.memory_space<vmem>>
    %dma_wait3A_160 = arith.constant 0 : i32
    %dma_wait3A_161 = arith.constant 0 : i32
    %dma_wait3A_162 = tpu.memref_slice %arg12[%dma_wait3A_160, %dma_wait3A_161] : memref<10240x16xf32, #tpu.memory_space<vmem_shared>> -> memref<10240x16xf32, #tpu.memory_space<vmem_shared>>
    tpu.wait_indirect_dma semaphore(%arg15 : memref<!tpu.dma_semaphore, #tpu.memory_space<semaphore_mem>>) src(%arg9 : memref<2000x16xf32, #tpu.memory_space<vmem>>) dst(%dma_wait3A_162 : memref<10240x16xf32, #tpu.memory_space<vmem_shared>>)
    %dma_wait3A_163 = arith.constant 6000 : i32
    %dma_wait3A_164 = tpu.memref_slice %arg8[%dma_wait3A_163] : memref<10000xi32, #tpu.memory_space<vmem>> -> memref<2000xi32, #tpu.memory_space<vmem>>
    %dma_wait3A_165 = arith.constant 0 : i32
    %dma_wait3A_166 = arith.constant 0 : i32
    %dma_wait3A_167 = tpu.memref_slice %arg12[%dma_wait3A_165, %dma_wait3A_166] : memref<10240x16xf32, #tpu.memory_space<vmem_shared>> -> memref<10240x16xf32, #tpu.memory_space<vmem_shared>>
    tpu.wait_indirect_dma semaphore(%arg16 : memref<!tpu.dma_semaphore, #tpu.memory_space<semaphore_mem>>) src(%arg10 : memref<2000x16xf32, #tpu.memory_space<vmem>>) dst(%dma_wait3A_167 : memref<10240x16xf32, #tpu.memory_space<vmem_shared>>)
    %dma_wait3A_168 = arith.constant 8000 : i32
    %dma_wait3A_169 = tpu.memref_slice %arg8[%dma_wait3A_168] : memref<10000xi32, #tpu.memory_space<vmem>> -> memref<2000xi32, #tpu.memory_space<vmem>>
    %dma_wait3A_170 = arith.constant 0 : i32
    %dma_wait3A_171 = tpu.memref_slice %arg19[%dma_wait3A_170] : memref<10240xf32, #tpu.memory_space<vmem_shared>> -> memref<10240xf32, #tpu.memory_space<vmem_shared>>
    tpu.wait_indirect_dma semaphore(%arg20 : memref<!tpu.dma_semaphore, #tpu.memory_space<semaphore_mem>>) src(%arg17 : memref<2000xf32, #tpu.memory_space<vmem>>) dst(%dma_wait3A_171 : memref<10240xf32, #tpu.memory_space<vmem_shared>>)
    %dma_wait3A_172 = arith.constant 6000 : i32
    %dma_wait3A_173 = tpu.memref_slice %arg8[%dma_wait3A_172] : memref<10000xi32, #tpu.memory_space<vmem>> -> memref<2000xi32, #tpu.memory_space<vmem>>
    %dma_wait3A_174 = arith.constant 0 : i32
    %dma_wait3A_175 = tpu.memref_slice %arg19[%dma_wait3A_174] : memref<10240xf32, #tpu.memory_space<vmem_shared>> -> memref<10240xf32, #tpu.memory_space<vmem_shared>>
    tpu.wait_indirect_dma semaphore(%arg21 : memref<!tpu.dma_semaphore, #tpu.memory_space<semaphore_mem>>) src(%arg17 : memref<2000xf32, #tpu.memory_space<vmem>>) dst(%dma_wait3A_175 : memref<10240xf32, #tpu.memory_space<vmem_shared>>)
    %barrier3A_176 = arith.constant 0 : index
    tpu.barrier barrier_id(%barrier3A_176)
    %mul3A_177 = arith.constant 640 : i32
    %mul3A_178 = arith.muli %arg1, %mul3A_177 : i32
    %mul3A_179 = arith.constant 640 : i32
    %mul3A_180 = arith.muli %arg1, %mul3A_179 : i32
    "tpu.region"() ({
      %run_scoped3A = tpu.sem_alloc : memref<!tpu.dma_semaphore, #tpu.memory_space<semaphore_mem>>
      %dma_start3A_185 = arith.constant 0 : i32
      %dma_start3A_186 = tpu.memref_slice %arg5[%arg0, %mul3A_180, %dma_start3A_185] : memref<2x10240x16xf32, #tpu.memory_space<hbm>> -> memref<1x640x16xf32, #tpu.memory_space<hbm>>
      %dma_start3A_187 = tpu.memref_squeeze %dma_start3A_186 : memref<1x640x16xf32, #tpu.memory_space<hbm>> -> memref<640x16xf32, #tpu.memory_space<hbm>>
      %dma_start3A_188 = arith.constant 0 : i32
      %dma_start3A_189 = tpu.memref_slice %arg12[%mul3A_178, %dma_start3A_188] : memref<10240x16xf32, #tpu.memory_space<vmem_shared>> -> memref<640x16xf32, #tpu.memory_space<vmem_shared>>
      tpu.enqueue_dma source(%dma_start3A_189 : memref<640x16xf32, #tpu.memory_space<vmem_shared>>) target(%dma_start3A_187 : memref<640x16xf32, #tpu.memory_space<hbm>>) target_semaphore(%run_scoped3A : memref<!tpu.dma_semaphore, #tpu.memory_space<semaphore_mem>>)
      %dma_wait3A_190 = arith.constant 0 : i32
      %dma_wait3A_191 = tpu.memref_slice %arg5[%arg0, %mul3A_180, %dma_wait3A_190] : memref<2x10240x16xf32, #tpu.memory_space<hbm>> -> memref<1x640x16xf32, #tpu.memory_space<hbm>>
      %dma_wait3A_192 = tpu.memref_squeeze %dma_wait3A_191 : memref<1x640x16xf32, #tpu.memory_space<hbm>> -> memref<640x16xf32, #tpu.memory_space<hbm>>
      %dma_wait3A_193 = arith.constant 0 : i32
      %dma_wait3A_194 = tpu.memref_slice %arg12[%mul3A_178, %dma_wait3A_193] : memref<10240x16xf32, #tpu.memory_space<vmem_shared>> -> memref<640x16xf32, #tpu.memory_space<vmem_shared>>
      tpu.wait_dma2 semaphore(%run_scoped3A : memref<!tpu.dma_semaphore, #tpu.memory_space<semaphore_mem>>) src(%dma_wait3A_194 : memref<640x16xf32, #tpu.memory_space<vmem_shared>>) dst(%dma_wait3A_192 : memref<640x16xf32, #tpu.memory_space<hbm>>)
      tpu.yield
    }) : () -> ()
    %mul3A_181 = arith.constant 640 : i32
    %mul3A_182 = arith.muli %arg1, %mul3A_181 : i32
    %mul3A_183 = arith.constant 640 : i32
    %mul3A_184 = arith.muli %arg1, %mul3A_183 : i32
    "tpu.region"() ({
      %run_scoped3A = tpu.sem_alloc : memref<!tpu.dma_semaphore, #tpu.memory_space<semaphore_mem>>
      %dma_start3A_185 = tpu.memref_slice %arg6[%arg0, %mul3A_184] : memref<2x10240xf32, #tpu.memory_space<hbm>> -> memref<1x640xf32, #tpu.memory_space<hbm>>
      %dma_start3A_186 = tpu.memref_squeeze %dma_start3A_185 : memref<1x640xf32, #tpu.memory_space<hbm>> -> memref<640xf32, #tpu.memory_space<hbm>>
      %dma_start3A_187 = tpu.memref_slice %arg19[%mul3A_182] : memref<10240xf32, #tpu.memory_space<vmem_shared>> -> memref<640xf32, #tpu.memory_space<vmem_shared>>
      tpu.enqueue_dma source(%dma_start3A_187 : memref<640xf32, #tpu.memory_space<vmem_shared>>) target(%dma_start3A_186 : memref<640xf32, #tpu.memory_space<hbm>>) target_semaphore(%run_scoped3A : memref<!tpu.dma_semaphore, #tpu.memory_space<semaphore_mem>>)
      %dma_wait3A_188 = tpu.memref_slice %arg6[%arg0, %mul3A_184] : memref<2x10240xf32, #tpu.memory_space<hbm>> -> memref<1x640xf32, #tpu.memory_space<hbm>>
      %dma_wait3A_189 = tpu.memref_squeeze %dma_wait3A_188 : memref<1x640xf32, #tpu.memory_space<hbm>> -> memref<640xf32, #tpu.memory_space<hbm>>
      %dma_wait3A_190 = tpu.memref_slice %arg19[%mul3A_182] : memref<10240xf32, #tpu.memory_space<vmem_shared>> -> memref<640xf32, #tpu.memory_space<vmem_shared>>
      tpu.wait_dma2 semaphore(%run_scoped3A : memref<!tpu.dma_semaphore, #tpu.memory_space<semaphore_mem>>) src(%dma_wait3A_190 : memref<640xf32, #tpu.memory_space<vmem_shared>>) dst(%dma_wait3A_189 : memref<640xf32, #tpu.memory_space<hbm>>)
      tpu.yield
    }) : () -> ()
    return
  }
}

#map = affine_map<(d0, d1) -> (0, 0)>
#map1 = affine_map<(d0, d1) -> (0)>
#map2 = affine_map<(d0, d1) -> (0, 0, 0)>
module attributes {stable_mosaic.version = 14 : i64} {
  func.func @body(%arg0: i32, %arg1: i32, %arg2: memref<10000x16xf32, #tpu.memory_space<hbm>>, %arg3: memref<320000xi32, #tpu.memory_space<hbm>>, %arg4: memref<320000xi32, #tpu.memory_space<hbm>>, %arg5: memref<2x10240x16xf32, #tpu.memory_space<hbm>>, %arg6: memref<10000xi32, #tpu.memory_space<vmem>>, %arg7: memref<10000xi32, #tpu.memory_space<vmem>>, %arg8: memref<2000x16xf32, #tpu.memory_space<vmem>>, %arg9: memref<2000x16xf32, #tpu.memory_space<vmem>>, %arg10: memref<640x16xf32, #tpu.memory_space<vmem>>, %arg11: memref<10240x16xf32, #tpu.memory_space<vmem_shared>>, %arg12: memref<!tpu.dma_semaphore, #tpu.memory_space<semaphore_mem>>, %arg13: memref<!tpu.dma_semaphore, #tpu.memory_space<semaphore_mem>>, %arg14: memref<!tpu.dma_semaphore, #tpu.memory_space<semaphore_mem>>, %arg15: memref<!tpu.dma_semaphore, #tpu.memory_space<semaphore_mem>>) attributes {dimension_semantics = [#tpu.dimension_semantics<core_parallel>, #tpu.dimension_semantics<subcore_parallel>], iteration_bounds = array<i64: 2, 16>, scalar_prefetch = 0 : i64, scratch_operands = 10 : i64, tpu.core_type = #tpu.core_type<sc_vector_subcore>, window_params = [{transform_indices = #map}, {transform_indices = #map1}, {transform_indices = #map1}, {transform_indices = #map2}]} {
    %mul3A = arith.constant 2 : i32
    %mul3A_0 = arith.muli %arg1, %mul3A : i32
    %add3A = arith.addi %mul3A_0, %arg0 : i32
    %mul3A_1 = arith.constant 10000 : i32
    %mul3A_2 = arith.muli %add3A, %mul3A_1 : i32
    %dma_start3A = tpu.memref_slice %arg3[%mul3A_2] : memref<320000xi32, #tpu.memory_space<hbm>> -> memref<10000xi32, #tpu.memory_space<hbm>>
    %dma_start3A_3 = tpu.memref_slice %arg3[%mul3A_2] : memref<320000xi32, #tpu.memory_space<hbm>> -> memref<10000xi32, #tpu.memory_space<hbm>>
    tpu.enqueue_dma source(%dma_start3A_3 : memref<10000xi32, #tpu.memory_space<hbm>>) target(%arg6 : memref<10000xi32, #tpu.memory_space<vmem>>) target_semaphore(%arg14 : memref<!tpu.dma_semaphore, #tpu.memory_space<semaphore_mem>>)
    %dma_start3A_4 = tpu.memref_slice %arg4[%mul3A_2] : memref<320000xi32, #tpu.memory_space<hbm>> -> memref<10000xi32, #tpu.memory_space<hbm>>
    %dma_start3A_5 = tpu.memref_slice %arg4[%mul3A_2] : memref<320000xi32, #tpu.memory_space<hbm>> -> memref<10000xi32, #tpu.memory_space<hbm>>
    tpu.enqueue_dma source(%dma_start3A_5 : memref<10000xi32, #tpu.memory_space<hbm>>) target(%arg7 : memref<10000xi32, #tpu.memory_space<vmem>>) target_semaphore(%arg15 : memref<!tpu.dma_semaphore, #tpu.memory_space<semaphore_mem>>)
    %broadcast_in_dim3A = arith.constant 0.000000e+00 : f32
    %broadcast_in_dim3A_6 = vector.broadcast %broadcast_in_dim3A : f32 to vector<16xf32>
    %scan3A = arith.constant 0 : i32
    %scan3A_7 = arith.constant 0 : i32
    %scan3A_8 = arith.constant 640 : i32
    %scan3A_9 = arith.addi %scan3A_7, %scan3A_8 : i32
    %scan3A_10 = arith.constant 1 : i32
    %scan3A_11 = scf.for %scan3A_125 = %scan3A_7 to %scan3A_9 step %scan3A_10 iter_args(%scan3A_126 = %scan3A) -> (i32)  : i32 {
      %swap3A = arith.index_cast %scan3A_125 : i32 to index
      %swap3A_127 = arith.constant 0 : index
      %swap3A_128 = tpu.vector_load %arg10[%swap3A, %swap3A_127] {strides = array<i32>} : memref<640x16xf32, #tpu.memory_space<vmem>>, vector<1x16xf32>,
      %swap3A_129 = vector.shape_cast %swap3A_128 : vector<1x16xf32> to vector<16xf32>
      %swap3A_130 = vector.shape_cast %broadcast_in_dim3A_6 : vector<16xf32> to vector<1x16xf32>
      tpu.vector_store %arg10[%swap3A, %swap3A_127], %swap3A_130 {strides = array<i32>} : memref<640x16xf32, #tpu.memory_space<vmem>>, vector<1x16xf32>,
      %scan3A_131 = arith.constant 0 : i32
      scf.yield %scan3A_131 : i32
    }
    %scan3A_12 = arith.constant 640 : i32
    %mul3A_13 = arith.constant 640 : i32
    %mul3A_14 = arith.muli %arg1, %mul3A_13 : i32
    "tpu.region"() ({
      %run_scoped3A = tpu.sem_alloc : memref<!tpu.dma_semaphore, #tpu.memory_space<semaphore_mem>>
      %dma_start3A_125 = arith.constant 0 : i32
      %dma_start3A_126 = tpu.memref_slice %arg11[%mul3A_14, %dma_start3A_125] : memref<10240x16xf32, #tpu.memory_space<vmem_shared>> -> memref<640x16xf32, #tpu.memory_space<vmem_shared>>
      %dma_start3A_127 = arith.constant 0 : i32
      %dma_start3A_128 = tpu.memref_slice %arg11[%mul3A_14, %dma_start3A_127] : memref<10240x16xf32, #tpu.memory_space<vmem_shared>> -> memref<640x16xf32, #tpu.memory_space<vmem_shared>>
      tpu.enqueue_dma source(%arg10 : memref<640x16xf32, #tpu.memory_space<vmem>>) target(%dma_start3A_128 : memref<640x16xf32, #tpu.memory_space<vmem_shared>>) target_semaphore(%run_scoped3A : memref<!tpu.dma_semaphore, #tpu.memory_space<semaphore_mem>>)
      %dma_wait3A_129 = arith.constant 0 : i32
      %dma_wait3A_130 = tpu.memref_slice %arg11[%mul3A_14, %dma_wait3A_129] : memref<10240x16xf32, #tpu.memory_space<vmem_shared>> -> memref<640x16xf32, #tpu.memory_space<vmem_shared>>
      %dma_wait3A_131 = arith.constant 0 : i32
      %dma_wait3A_132 = tpu.memref_slice %arg11[%mul3A_14, %dma_wait3A_131] : memref<10240x16xf32, #tpu.memory_space<vmem_shared>> -> memref<640x16xf32, #tpu.memory_space<vmem_shared>>
      tpu.wait_dma2 semaphore(%run_scoped3A : memref<!tpu.dma_semaphore, #tpu.memory_space<semaphore_mem>>) src(%arg10 : memref<640x16xf32, #tpu.memory_space<vmem>>) dst(%dma_wait3A_132 : memref<640x16xf32, #tpu.memory_space<vmem_shared>>)
      tpu.yield
    }) : () -> ()
    %broadcast_in_dim3A_15 = arith.constant 1.000000e+00 : f32
    %broadcast_in_dim3A_16 = vector.broadcast %broadcast_in_dim3A_15 : f32 to vector<16xf32>
    %barrier3A = arith.constant 0 : index
    tpu.barrier barrier_id(%barrier3A)
    %dma_wait3A = tpu.memref_slice %arg3[%mul3A_2] : memref<320000xi32, #tpu.memory_space<hbm>> -> memref<10000xi32, #tpu.memory_space<hbm>>
    %dma_wait3A_17 = tpu.memref_slice %arg3[%mul3A_2] : memref<320000xi32, #tpu.memory_space<hbm>> -> memref<10000xi32, #tpu.memory_space<hbm>>
    tpu.wait_dma2 semaphore(%arg14 : memref<!tpu.dma_semaphore, #tpu.memory_space<semaphore_mem>>) src(%dma_wait3A_17 : memref<10000xi32, #tpu.memory_space<hbm>>) dst(%arg6 : memref<10000xi32, #tpu.memory_space<vmem>>)
    %dma_wait3A_18 = tpu.memref_slice %arg4[%mul3A_2] : memref<320000xi32, #tpu.memory_space<hbm>> -> memref<10000xi32, #tpu.memory_space<hbm>>
    %dma_wait3A_19 = tpu.memref_slice %arg4[%mul3A_2] : memref<320000xi32, #tpu.memory_space<hbm>> -> memref<10000xi32, #tpu.memory_space<hbm>>
    tpu.wait_dma2 semaphore(%arg15 : memref<!tpu.dma_semaphore, #tpu.memory_space<semaphore_mem>>) src(%dma_wait3A_19 : memref<10000xi32, #tpu.memory_space<hbm>>) dst(%arg7 : memref<10000xi32, #tpu.memory_space<vmem>>)
    %dma_start3A_20 = arith.constant 0 : i32
    %dma_start3A_21 = tpu.memref_slice %arg6[%dma_start3A_20] : memref<10000xi32, #tpu.memory_space<vmem>> -> memref<2000xi32, #tpu.memory_space<vmem>>
    %dma_start3A_22 = arith.constant 0 : i32
    %dma_start3A_23 = arith.constant 0 : i32
    %dma_start3A_24 = tpu.memref_slice %arg2[%dma_start3A_22, %dma_start3A_23] : memref<10000x16xf32, #tpu.memory_space<hbm>> -> memref<10000x16xf32, #tpu.memory_space<hbm>>
    tpu.enqueue_indirect_dma source(%dma_start3A_24 : memref<10000x16xf32, #tpu.memory_space<hbm>>) target(%arg8 : memref<2000x16xf32, #tpu.memory_space<vmem>>) offsets(%dma_start3A_21 : memref<2000xi32, #tpu.memory_space<vmem>>) semaphore(%arg12 : memref<!tpu.dma_semaphore, #tpu.memory_space<semaphore_mem>>)
    %dma_wait3A_25 = arith.constant 0 : i32
    %dma_wait3A_26 = tpu.memref_slice %arg6[%dma_wait3A_25] : memref<10000xi32, #tpu.memory_space<vmem>> -> memref<2000xi32, #tpu.memory_space<vmem>>
    %dma_wait3A_27 = arith.constant 0 : i32
    %dma_wait3A_28 = arith.constant 0 : i32
    %dma_wait3A_29 = tpu.memref_slice %arg2[%dma_wait3A_27, %dma_wait3A_28] : memref<10000x16xf32, #tpu.memory_space<hbm>> -> memref<10000x16xf32, #tpu.memory_space<hbm>>
    tpu.wait_indirect_dma semaphore(%arg12 : memref<!tpu.dma_semaphore, #tpu.memory_space<semaphore_mem>>) src(%dma_wait3A_29 : memref<10000x16xf32, #tpu.memory_space<hbm>>) dst(%arg8 : memref<2000x16xf32, #tpu.memory_space<vmem>>)
    %dma_start3A_30 = arith.constant 0 : i32
    %dma_start3A_31 = tpu.memref_slice %arg7[%dma_start3A_30] : memref<10000xi32, #tpu.memory_space<vmem>> -> memref<2000xi32, #tpu.memory_space<vmem>>
    %dma_start3A_32 = arith.constant 0 : i32
    %dma_start3A_33 = arith.constant 0 : i32
    %dma_start3A_34 = tpu.memref_slice %arg11[%dma_start3A_32, %dma_start3A_33] : memref<10240x16xf32, #tpu.memory_space<vmem_shared>> -> memref<10240x16xf32, #tpu.memory_space<vmem_shared>>
    tpu.enqueue_indirect_dma source(%arg8 : memref<2000x16xf32, #tpu.memory_space<vmem>>) target(%dma_start3A_34 : memref<10240x16xf32, #tpu.memory_space<vmem_shared>>) offsets(%dma_start3A_31 : memref<2000xi32, #tpu.memory_space<vmem>>) semaphore(%arg14 : memref<!tpu.dma_semaphore, #tpu.memory_space<semaphore_mem>>) {add = true}
    %dma_start3A_35 = arith.constant 2000 : i32
    %dma_start3A_36 = tpu.memref_slice %arg6[%dma_start3A_35] : memref<10000xi32, #tpu.memory_space<vmem>> -> memref<2000xi32, #tpu.memory_space<vmem>>
    %dma_start3A_37 = arith.constant 0 : i32
    %dma_start3A_38 = arith.constant 0 : i32
    %dma_start3A_39 = tpu.memref_slice %arg2[%dma_start3A_37, %dma_start3A_38] : memref<10000x16xf32, #tpu.memory_space<hbm>> -> memref<10000x16xf32, #tpu.memory_space<hbm>>
    tpu.enqueue_indirect_dma source(%dma_start3A_39 : memref<10000x16xf32, #tpu.memory_space<hbm>>) target(%arg9 : memref<2000x16xf32, #tpu.memory_space<vmem>>) offsets(%dma_start3A_36 : memref<2000xi32, #tpu.memory_space<vmem>>) semaphore(%arg13 : memref<!tpu.dma_semaphore, #tpu.memory_space<semaphore_mem>>)
    %dma_wait3A_40 = arith.constant 2000 : i32
    %dma_wait3A_41 = tpu.memref_slice %arg6[%dma_wait3A_40] : memref<10000xi32, #tpu.memory_space<vmem>> -> memref<2000xi32, #tpu.memory_space<vmem>>
    %dma_wait3A_42 = arith.constant 0 : i32
    %dma_wait3A_43 = arith.constant 0 : i32
    %dma_wait3A_44 = tpu.memref_slice %arg2[%dma_wait3A_42, %dma_wait3A_43] : memref<10000x16xf32, #tpu.memory_space<hbm>> -> memref<10000x16xf32, #tpu.memory_space<hbm>>
    tpu.wait_indirect_dma semaphore(%arg13 : memref<!tpu.dma_semaphore, #tpu.memory_space<semaphore_mem>>) src(%dma_wait3A_44 : memref<10000x16xf32, #tpu.memory_space<hbm>>) dst(%arg9 : memref<2000x16xf32, #tpu.memory_space<vmem>>)
    %dma_start3A_45 = arith.constant 2000 : i32
    %dma_start3A_46 = tpu.memref_slice %arg7[%dma_start3A_45] : memref<10000xi32, #tpu.memory_space<vmem>> -> memref<2000xi32, #tpu.memory_space<vmem>>
    %dma_start3A_47 = arith.constant 0 : i32
    %dma_start3A_48 = arith.constant 0 : i32
    %dma_start3A_49 = tpu.memref_slice %arg11[%dma_start3A_47, %dma_start3A_48] : memref<10240x16xf32, #tpu.memory_space<vmem_shared>> -> memref<10240x16xf32, #tpu.memory_space<vmem_shared>>
    tpu.enqueue_indirect_dma source(%arg9 : memref<2000x16xf32, #tpu.memory_space<vmem>>) target(%dma_start3A_49 : memref<10240x16xf32, #tpu.memory_space<vmem_shared>>) offsets(%dma_start3A_46 : memref<2000xi32, #tpu.memory_space<vmem>>) semaphore(%arg15 : memref<!tpu.dma_semaphore, #tpu.memory_space<semaphore_mem>>) {add = true}
    %dma_wait3A_50 = arith.constant 0 : i32
    %dma_wait3A_51 = tpu.memref_slice %arg7[%dma_wait3A_50] : memref<10000xi32, #tpu.memory_space<vmem>> -> memref<2000xi32, #tpu.memory_space<vmem>>
    %dma_wait3A_52 = arith.constant 0 : i32
    %dma_wait3A_53 = arith.constant 0 : i32
    %dma_wait3A_54 = tpu.memref_slice %arg11[%dma_wait3A_52, %dma_wait3A_53] : memref<10240x16xf32, #tpu.memory_space<vmem_shared>> -> memref<10240x16xf32, #tpu.memory_space<vmem_shared>>
    tpu.wait_indirect_dma semaphore(%arg14 : memref<!tpu.dma_semaphore, #tpu.memory_space<semaphore_mem>>) src(%arg8 : memref<2000x16xf32, #tpu.memory_space<vmem>>) dst(%dma_wait3A_54 : memref<10240x16xf32, #tpu.memory_space<vmem_shared>>)
    %dma_start3A_55 = arith.constant 4000 : i32
    %dma_start3A_56 = tpu.memref_slice %arg6[%dma_start3A_55] : memref<10000xi32, #tpu.memory_space<vmem>> -> memref<2000xi32, #tpu.memory_space<vmem>>
    %dma_start3A_57 = arith.constant 0 : i32
    %dma_start3A_58 = arith.constant 0 : i32
    %dma_start3A_59 = tpu.memref_slice %arg2[%dma_start3A_57, %dma_start3A_58] : memref<10000x16xf32, #tpu.memory_space<hbm>> -> memref<10000x16xf32, #tpu.memory_space<hbm>>
    tpu.enqueue_indirect_dma source(%dma_start3A_59 : memref<10000x16xf32, #tpu.memory_space<hbm>>) target(%arg8 : memref<2000x16xf32, #tpu.memory_space<vmem>>) offsets(%dma_start3A_56 : memref<2000xi32, #tpu.memory_space<vmem>>) semaphore(%arg12 : memref<!tpu.dma_semaphore, #tpu.memory_space<semaphore_mem>>)
    %dma_wait3A_60 = arith.constant 4000 : i32
    %dma_wait3A_61 = tpu.memref_slice %arg6[%dma_wait3A_60] : memref<10000xi32, #tpu.memory_space<vmem>> -> memref<2000xi32, #tpu.memory_space<vmem>>
    %dma_wait3A_62 = arith.constant 0 : i32
    %dma_wait3A_63 = arith.constant 0 : i32
    %dma_wait3A_64 = tpu.memref_slice %arg2[%dma_wait3A_62, %dma_wait3A_63] : memref<10000x16xf32, #tpu.memory_space<hbm>> -> memref<10000x16xf32, #tpu.memory_space<hbm>>
    tpu.wait_indirect_dma semaphore(%arg12 : memref<!tpu.dma_semaphore, #tpu.memory_space<semaphore_mem>>) src(%dma_wait3A_64 : memref<10000x16xf32, #tpu.memory_space<hbm>>) dst(%arg8 : memref<2000x16xf32, #tpu.memory_space<vmem>>)
    %dma_start3A_65 = arith.constant 4000 : i32
    %dma_start3A_66 = tpu.memref_slice %arg7[%dma_start3A_65] : memref<10000xi32, #tpu.memory_space<vmem>> -> memref<2000xi32, #tpu.memory_space<vmem>>
    %dma_start3A_67 = arith.constant 0 : i32
    %dma_start3A_68 = arith.constant 0 : i32
    %dma_start3A_69 = tpu.memref_slice %arg11[%dma_start3A_67, %dma_start3A_68] : memref<10240x16xf32, #tpu.memory_space<vmem_shared>> -> memref<10240x16xf32, #tpu.memory_space<vmem_shared>>
    tpu.enqueue_indirect_dma source(%arg8 : memref<2000x16xf32, #tpu.memory_space<vmem>>) target(%dma_start3A_69 : memref<10240x16xf32, #tpu.memory_space<vmem_shared>>) offsets(%dma_start3A_66 : memref<2000xi32, #tpu.memory_space<vmem>>) semaphore(%arg14 : memref<!tpu.dma_semaphore, #tpu.memory_space<semaphore_mem>>) {add = true}
    %dma_wait3A_70 = arith.constant 2000 : i32
    %dma_wait3A_71 = tpu.memref_slice %arg7[%dma_wait3A_70] : memref<10000xi32, #tpu.memory_space<vmem>> -> memref<2000xi32, #tpu.memory_space<vmem>>
    %dma_wait3A_72 = arith.constant 0 : i32
    %dma_wait3A_73 = arith.constant 0 : i32
    %dma_wait3A_74 = tpu.memref_slice %arg11[%dma_wait3A_72, %dma_wait3A_73] : memref<10240x16xf32, #tpu.memory_space<vmem_shared>> -> memref<10240x16xf32, #tpu.memory_space<vmem_shared>>
    tpu.wait_indirect_dma semaphore(%arg15 : memref<!tpu.dma_semaphore, #tpu.memory_space<semaphore_mem>>) src(%arg9 : memref<2000x16xf32, #tpu.memory_space<vmem>>) dst(%dma_wait3A_74 : memref<10240x16xf32, #tpu.memory_space<vmem_shared>>)
    %dma_start3A_75 = arith.constant 6000 : i32
    %dma_start3A_76 = tpu.memref_slice %arg6[%dma_start3A_75] : memref<10000xi32, #tpu.memory_space<vmem>> -> memref<2000xi32, #tpu.memory_space<vmem>>
    %dma_start3A_77 = arith.constant 0 : i32
    %dma_start3A_78 = arith.constant 0 : i32
    %dma_start3A_79 = tpu.memref_slice %arg2[%dma_start3A_77, %dma_start3A_78] : memref<10000x16xf32, #tpu.memory_space<hbm>> -> memref<10000x16xf32, #tpu.memory_space<hbm>>
    tpu.enqueue_indirect_dma source(%dma_start3A_79 : memref<10000x16xf32, #tpu.memory_space<hbm>>) target(%arg9 : memref<2000x16xf32, #tpu.memory_space<vmem>>) offsets(%dma_start3A_76 : memref<2000xi32, #tpu.memory_space<vmem>>) semaphore(%arg13 : memref<!tpu.dma_semaphore, #tpu.memory_space<semaphore_mem>>)
    %dma_wait3A_80 = arith.constant 6000 : i32
    %dma_wait3A_81 = tpu.memref_slice %arg6[%dma_wait3A_80] : memref<10000xi32, #tpu.memory_space<vmem>> -> memref<2000xi32, #tpu.memory_space<vmem>>
    %dma_wait3A_82 = arith.constant 0 : i32
    %dma_wait3A_83 = arith.constant 0 : i32
    %dma_wait3A_84 = tpu.memref_slice %arg2[%dma_wait3A_82, %dma_wait3A_83] : memref<10000x16xf32, #tpu.memory_space<hbm>> -> memref<10000x16xf32, #tpu.memory_space<hbm>>
    tpu.wait_indirect_dma semaphore(%arg13 : memref<!tpu.dma_semaphore, #tpu.memory_space<semaphore_mem>>) src(%dma_wait3A_84 : memref<10000x16xf32, #tpu.memory_space<hbm>>) dst(%arg9 : memref<2000x16xf32, #tpu.memory_space<vmem>>)
    %dma_start3A_85 = arith.constant 6000 : i32
    %dma_start3A_86 = tpu.memref_slice %arg7[%dma_start3A_85] : memref<10000xi32, #tpu.memory_space<vmem>> -> memref<2000xi32, #tpu.memory_space<vmem>>
    %dma_start3A_87 = arith.constant 0 : i32
    %dma_start3A_88 = arith.constant 0 : i32
    %dma_start3A_89 = tpu.memref_slice %arg11[%dma_start3A_87, %dma_start3A_88] : memref<10240x16xf32, #tpu.memory_space<vmem_shared>> -> memref<10240x16xf32, #tpu.memory_space<vmem_shared>>
    tpu.enqueue_indirect_dma source(%arg9 : memref<2000x16xf32, #tpu.memory_space<vmem>>) target(%dma_start3A_89 : memref<10240x16xf32, #tpu.memory_space<vmem_shared>>) offsets(%dma_start3A_86 : memref<2000xi32, #tpu.memory_space<vmem>>) semaphore(%arg15 : memref<!tpu.dma_semaphore, #tpu.memory_space<semaphore_mem>>) {add = true}
    %dma_wait3A_90 = arith.constant 4000 : i32
    %dma_wait3A_91 = tpu.memref_slice %arg7[%dma_wait3A_90] : memref<10000xi32, #tpu.memory_space<vmem>> -> memref<2000xi32, #tpu.memory_space<vmem>>
    %dma_wait3A_92 = arith.constant 0 : i32
    %dma_wait3A_93 = arith.constant 0 : i32
    %dma_wait3A_94 = tpu.memref_slice %arg11[%dma_wait3A_92, %dma_wait3A_93] : memref<10240x16xf32, #tpu.memory_space<vmem_shared>> -> memref<10240x16xf32, #tpu.memory_space<vmem_shared>>
    tpu.wait_indirect_dma semaphore(%arg14 : memref<!tpu.dma_semaphore, #tpu.memory_space<semaphore_mem>>) src(%arg8 : memref<2000x16xf32, #tpu.memory_space<vmem>>) dst(%dma_wait3A_94 : memref<10240x16xf32, #tpu.memory_space<vmem_shared>>)
    %dma_start3A_95 = arith.constant 8000 : i32
    %dma_start3A_96 = tpu.memref_slice %arg6[%dma_start3A_95] : memref<10000xi32, #tpu.memory_space<vmem>> -> memref<2000xi32, #tpu.memory_space<vmem>>
    %dma_start3A_97 = arith.constant 0 : i32
    %dma_start3A_98 = arith.constant 0 : i32
    %dma_start3A_99 = tpu.memref_slice %arg2[%dma_start3A_97, %dma_start3A_98] : memref<10000x16xf32, #tpu.memory_space<hbm>> -> memref<10000x16xf32, #tpu.memory_space<hbm>>
    tpu.enqueue_indirect_dma source(%dma_start3A_99 : memref<10000x16xf32, #tpu.memory_space<hbm>>) target(%arg8 : memref<2000x16xf32, #tpu.memory_space<vmem>>) offsets(%dma_start3A_96 : memref<2000xi32, #tpu.memory_space<vmem>>) semaphore(%arg12 : memref<!tpu.dma_semaphore, #tpu.memory_space<semaphore_mem>>)
    %dma_wait3A_100 = arith.constant 8000 : i32
    %dma_wait3A_101 = tpu.memref_slice %arg6[%dma_wait3A_100] : memref<10000xi32, #tpu.memory_space<vmem>> -> memref<2000xi32, #tpu.memory_space<vmem>>
    %dma_wait3A_102 = arith.constant 0 : i32
    %dma_wait3A_103 = arith.constant 0 : i32
    %dma_wait3A_104 = tpu.memref_slice %arg2[%dma_wait3A_102, %dma_wait3A_103] : memref<10000x16xf32, #tpu.memory_space<hbm>> -> memref<10000x16xf32, #tpu.memory_space<hbm>>
    tpu.wait_indirect_dma semaphore(%arg12 : memref<!tpu.dma_semaphore, #tpu.memory_space<semaphore_mem>>) src(%dma_wait3A_104 : memref<10000x16xf32, #tpu.memory_space<hbm>>) dst(%arg8 : memref<2000x16xf32, #tpu.memory_space<vmem>>)
    %dma_start3A_105 = arith.constant 8000 : i32
    %dma_start3A_106 = tpu.memref_slice %arg7[%dma_start3A_105] : memref<10000xi32, #tpu.memory_space<vmem>> -> memref<2000xi32, #tpu.memory_space<vmem>>
    %dma_start3A_107 = arith.constant 0 : i32
    %dma_start3A_108 = arith.constant 0 : i32
    %dma_start3A_109 = tpu.memref_slice %arg11[%dma_start3A_107, %dma_start3A_108] : memref<10240x16xf32, #tpu.memory_space<vmem_shared>> -> memref<10240x16xf32, #tpu.memory_space<vmem_shared>>
    tpu.enqueue_indirect_dma source(%arg8 : memref<2000x16xf32, #tpu.memory_space<vmem>>) target(%dma_start3A_109 : memref<10240x16xf32, #tpu.memory_space<vmem_shared>>) offsets(%dma_start3A_106 : memref<2000xi32, #tpu.memory_space<vmem>>) semaphore(%arg14 : memref<!tpu.dma_semaphore, #tpu.memory_space<semaphore_mem>>) {add = true}
    %dma_wait3A_110 = arith.constant 8000 : i32
    %dma_wait3A_111 = tpu.memref_slice %arg7[%dma_wait3A_110] : memref<10000xi32, #tpu.memory_space<vmem>> -> memref<2000xi32, #tpu.memory_space<vmem>>
    %dma_wait3A_112 = arith.constant 0 : i32
    %dma_wait3A_113 = arith.constant 0 : i32
    %dma_wait3A_114 = tpu.memref_slice %arg11[%dma_wait3A_112, %dma_wait3A_113] : memref<10240x16xf32, #tpu.memory_space<vmem_shared>> -> memref<10240x16xf32, #tpu.memory_space<vmem_shared>>
    tpu.wait_indirect_dma semaphore(%arg14 : memref<!tpu.dma_semaphore, #tpu.memory_space<semaphore_mem>>) src(%arg8 : memref<2000x16xf32, #tpu.memory_space<vmem>>) dst(%dma_wait3A_114 : memref<10240x16xf32, #tpu.memory_space<vmem_shared>>)
    %dma_wait3A_115 = arith.constant 6000 : i32
    %dma_wait3A_116 = tpu.memref_slice %arg7[%dma_wait3A_115] : memref<10000xi32, #tpu.memory_space<vmem>> -> memref<2000xi32, #tpu.memory_space<vmem>>
    %dma_wait3A_117 = arith.constant 0 : i32
    %dma_wait3A_118 = arith.constant 0 : i32
    %dma_wait3A_119 = tpu.memref_slice %arg11[%dma_wait3A_117, %dma_wait3A_118] : memref<10240x16xf32, #tpu.memory_space<vmem_shared>> -> memref<10240x16xf32, #tpu.memory_space<vmem_shared>>
    tpu.wait_indirect_dma semaphore(%arg15 : memref<!tpu.dma_semaphore, #tpu.memory_space<semaphore_mem>>) src(%arg9 : memref<2000x16xf32, #tpu.memory_space<vmem>>) dst(%dma_wait3A_119 : memref<10240x16xf32, #tpu.memory_space<vmem_shared>>)
    %barrier3A_120 = arith.constant 0 : index
    tpu.barrier barrier_id(%barrier3A_120)
    %mul3A_121 = arith.constant 640 : i32
    %mul3A_122 = arith.muli %arg1, %mul3A_121 : i32
    %mul3A_123 = arith.constant 640 : i32
    %mul3A_124 = arith.muli %arg1, %mul3A_123 : i32
    "tpu.region"() ({
      %run_scoped3A = tpu.sem_alloc : memref<!tpu.dma_semaphore, #tpu.memory_space<semaphore_mem>>
      %dma_start3A_125 = arith.constant 0 : i32
      %dma_start3A_126 = tpu.memref_slice %arg5[%arg0, %mul3A_124, %dma_start3A_125] : memref<2x10240x16xf32, #tpu.memory_space<hbm>> -> memref<1x640x16xf32, #tpu.memory_space<hbm>>
      %dma_start3A_127 = tpu.memref_squeeze %dma_start3A_126 : memref<1x640x16xf32, #tpu.memory_space<hbm>> -> memref<640x16xf32, #tpu.memory_space<hbm>>
      %dma_start3A_128 = arith.constant 0 : i32
      %dma_start3A_129 = tpu.memref_slice %arg11[%mul3A_122, %dma_start3A_128] : memref<10240x16xf32, #tpu.memory_space<vmem_shared>> -> memref<640x16xf32, #tpu.memory_space<vmem_shared>>
      tpu.enqueue_dma source(%dma_start3A_129 : memref<640x16xf32, #tpu.memory_space<vmem_shared>>) target(%dma_start3A_127 : memref<640x16xf32, #tpu.memory_space<hbm>>) target_semaphore(%run_scoped3A : memref<!tpu.dma_semaphore, #tpu.memory_space<semaphore_mem>>)
      %dma_wait3A_130 = arith.constant 0 : i32
      %dma_wait3A_131 = tpu.memref_slice %arg5[%arg0, %mul3A_124, %dma_wait3A_130] : memref<2x10240x16xf32, #tpu.memory_space<hbm>> -> memref<1x640x16xf32, #tpu.memory_space<hbm>>
      %dma_wait3A_132 = tpu.memref_squeeze %dma_wait3A_131 : memref<1x640x16xf32, #tpu.memory_space<hbm>> -> memref<640x16xf32, #tpu.memory_space<hbm>>
      %dma_wait3A_133 = arith.constant 0 : i32
      %dma_wait3A_134 = tpu.memref_slice %arg11[%mul3A_122, %dma_wait3A_133] : memref<10240x16xf32, #tpu.memory_space<vmem_shared>> -> memref<640x16xf32, #tpu.memory_space<vmem_shared>>
      tpu.wait_dma2 semaphore(%run_scoped3A : memref<!tpu.dma_semaphore, #tpu.memory_space<semaphore_mem>>) src(%dma_wait3A_134 : memref<640x16xf32, #tpu.memory_space<vmem_shared>>) dst(%dma_wait3A_132 : memref<640x16xf32, #tpu.memory_space<hbm>>)
      tpu.yield
    }) : () -> ()
    return
  }
}

module attributes {stable_mosaic.version = 14 : i64} {
  func.func @_stage_a(%arg0: memref<10000x128xf32, #tpu.memory_space<vmem>>, %arg1: memref<16x128xf32, #tpu.memory_space<vmem>>, %arg2: memref<16x128xf32, #tpu.memory_space<vmem>>, %arg3: memref<10000x16xf32, #tpu.memory_space<vmem>>, %arg4: memref<10000x16xf32, #tpu.memory_space<vmem>>) attributes {dimension_semantics = [], scalar_prefetch = 0 : i64, scratch_operands = 0 : i64, tpu.core_type = #tpu.core_type<tc>} {
    %get3A = arith.constant 0 : index
    %get3A_0 = arith.constant 0 : index
    %get3A_1 = vector.load %arg0[%get3A, %get3A_0] : memref<10000x128xf32, #tpu.memory_space<vmem>>, vector<10000x128xf32>
    %get3A_2 = arith.constant 0 : index
    %get3A_3 = arith.constant 0 : index
    %get3A_4 = vector.load %arg1[%get3A_2, %get3A_3] : memref<16x128xf32, #tpu.memory_space<vmem>>, vector<16x128xf32>
    %dot_general3A = arith.constant dense<0.000000e+00> : vector<10000x16xf32>
    %dot_general3A_5 = tpu.matmul %get3A_1, %get3A_4, %dot_general3A {dimension_numbers = #tpu.dot_dimension_numbers<[1], [1], [0], [0], [0, 0, 1, 0], [], []>, transpose_lhs_hint = false} : vector<10000x128xf32>, vector<16x128xf32>, vector<10000x16xf32> -> vector<10000x16xf32>
    %swap3A = arith.constant 0 : index
    %swap3A_6 = arith.constant 0 : index
    %swap3A_7 = vector.load %arg3[%swap3A, %swap3A_6] : memref<10000x16xf32, #tpu.memory_space<vmem>>, vector<10000x16xf32>
    tpu.vector_store %arg3[%swap3A, %swap3A_6], %dot_general3A_5 {strides = array<i32>} : memref<10000x16xf32, #tpu.memory_space<vmem>>, vector<10000x16xf32>,
    %get3A_8 = arith.constant 0 : index
    %get3A_9 = arith.constant 0 : index
    %get3A_10 = vector.load %arg2[%get3A_8, %get3A_9] : memref<16x128xf32, #tpu.memory_space<vmem>>, vector<16x128xf32>
    %dot_general3A_11 = arith.constant dense<0.000000e+00> : vector<10000x16xf32>
    %dot_general3A_12 = tpu.matmul %get3A_1, %get3A_10, %dot_general3A_11 {dimension_numbers = #tpu.dot_dimension_numbers<[1], [1], [0], [0], [0, 0, 1, 0], [], []>, transpose_lhs_hint = false} : vector<10000x128xf32>, vector<16x128xf32>, vector<10000x16xf32> -> vector<10000x16xf32>
    %swap3A_13 = arith.constant 0 : index
    %swap3A_14 = arith.constant 0 : index
    %swap3A_15 = vector.load %arg4[%swap3A_13, %swap3A_14] : memref<10000x16xf32, #tpu.memory_space<vmem>>, vector<10000x16xf32>
    tpu.vector_store %arg4[%swap3A_13, %swap3A_14], %dot_general3A_12 {strides = array<i32>} : memref<10000x16xf32, #tpu.memory_space<vmem>>, vector<10000x16xf32>,
    return
  }
}

module attributes {stable_mosaic.version = 14 : i64} {
  func.func @_stage_b(%arg0: i32, %arg1: memref<2x10000x16xf32, #tpu.memory_space<vmem>>, %arg2: memref<2x10240xf32, #tpu.memory_space<vmem>>, %arg3: memref<10000x16xf32, #tpu.memory_space<vmem>>, %arg4: memref<1x16xf32, #tpu.memory_space<vmem>>, %arg5: memref<16x16xf32, #tpu.memory_space<vmem>>, %arg6: memref<16x16xf32, #tpu.memory_space<vmem>>, %arg7: memref<10000x16xf32, #tpu.memory_space<vmem>>, %arg8: memref<10000x16xf32, #tpu.memory_space<vmem>>) attributes {dimension_semantics = [#tpu.dimension_semantics<arbitrary>], iteration_bounds = array<i64: 1>, scalar_prefetch = 0 : i64, scratch_operands = 0 : i64, tpu.core_type = #tpu.core_type<tc>, window_params = [{transform_indices = @transform_0, window_bounds = array<i64: 2, 10000, 16>}, {pipeline_mode = #tpu.pipeline_mode<synchronous>, transform_indices = @transform_1, window_bounds = array<i64: 2, 10240>}, {pipeline_mode = #tpu.pipeline_mode<synchronous>, transform_indices = @transform_2, window_bounds = array<i64: 10000, 16>}, {pipeline_mode = #tpu.pipeline_mode<synchronous>, transform_indices = @transform_3, window_bounds = array<i64: 1, 16>}, {pipeline_mode = #tpu.pipeline_mode<synchronous>, transform_indices = @transform_4, window_bounds = array<i64: 16, 16>}, {pipeline_mode = #tpu.pipeline_mode<synchronous>, transform_indices = @transform_5, window_bounds = array<i64: 16, 16>}, {pipeline_mode = #tpu.pipeline_mode<synchronous>, transform_indices = @transform_6, window_bounds = array<i64: 10000, 16>}, {pipeline_mode = #tpu.pipeline_mode<synchronous>, transform_indices = @transform_7, window_bounds = array<i64: 10000, 16>}]} {
    %get3A = arith.constant 0 : index
    %get3A_0 = arith.constant 0 : index
    %get3A_1 = vector.load %arg2[%get3A, %get3A_0] : memref<2x10240xf32, #tpu.memory_space<vmem>>, vector<1x10000xf32>
    %get3A_2 = vector.shape_cast %get3A_1 : vector<1x10000xf32> to vector<10000xf32>
    %get3A_3 = arith.constant 1 : index
    %get3A_4 = arith.constant 0 : index
    %get3A_5 = vector.load %arg2[%get3A_3, %get3A_4] : memref<2x10240xf32, #tpu.memory_space<vmem>>, vector<1x10000xf32>
    %get3A_6 = vector.shape_cast %get3A_5 : vector<1x10000xf32> to vector<10000xf32>
    %add3A = arith.addf %get3A_2, %get3A_6 : vector<10000xf32>
    %max3A = arith.constant 1.000000e+00 : f32
    %max3A_7 = vector.broadcast %max3A : f32 to vector<10000xf32>
    %max3A_8 = arith.maximumf %add3A, %max3A_7 : vector<10000xf32>
    %broadcast_in_dim3A = vector.shape_cast %max3A_8 : vector<10000xf32> to vector<10000x1xf32>
    %get3A_9 = arith.constant 0 : index
    %get3A_10 = arith.constant 0 : index
    %get3A_11 = arith.constant 0 : index
    %get3A_12 = vector.load %arg1[%get3A_9, %get3A_10, %get3A_11] : memref<2x10000x16xf32, #tpu.memory_space<vmem>>, vector<1x10000x16xf32>
    %get3A_13 = vector.shape_cast %get3A_12 : vector<1x10000x16xf32> to vector<10000x16xf32>
    %get3A_14 = arith.constant 1 : index
    %get3A_15 = arith.constant 0 : index
    %get3A_16 = arith.constant 0 : index
    %get3A_17 = vector.load %arg1[%get3A_14, %get3A_15, %get3A_16] : memref<2x10000x16xf32, #tpu.memory_space<vmem>>, vector<1x10000x16xf32>
    %get3A_18 = vector.shape_cast %get3A_17 : vector<1x10000x16xf32> to vector<10000x16xf32>
    %add3A_19 = arith.addf %get3A_13, %get3A_18 : vector<10000x16xf32>
    %div3A = vector.broadcast %broadcast_in_dim3A : vector<10000x1xf32> to vector<10000x16xf32>
    %div3A_20 = arith.divf %add3A_19, %div3A : vector<10000x16xf32>
    %get3A_21 = arith.constant 0 : index
    %get3A_22 = arith.constant 0 : index
    %get3A_23 = vector.load %arg4[%get3A_21, %get3A_22] : memref<1x16xf32, #tpu.memory_space<vmem>>, vector<1x16xf32>
    %add3A_24 = vector.broadcast %get3A_23 : vector<1x16xf32> to vector<10000x16xf32>
    %add3A_25 = arith.addf %div3A_20, %add3A_24 : vector<10000x16xf32>
    %get3A_26 = arith.constant 0 : index
    %get3A_27 = arith.constant 0 : index
    %get3A_28 = vector.load %arg3[%get3A_26, %get3A_27] : memref<10000x16xf32, #tpu.memory_space<vmem>>, vector<10000x16xf32>
    %add3A_29 = arith.addf %add3A_25, %get3A_28 : vector<10000x16xf32>
    %max3A_30 = arith.constant 0.000000e+00 : f32
    %max3A_31 = vector.broadcast %max3A_30 : f32 to vector<10000x16xf32>
    %max3A_32 = arith.maximumf %add3A_29, %max3A_31 : vector<10000x16xf32>
    %get3A_33 = arith.constant 0 : index
    %get3A_34 = arith.constant 0 : index
    %get3A_35 = vector.load %arg5[%get3A_33, %get3A_34] : memref<16x16xf32, #tpu.memory_space<vmem>>, vector<16x16xf32>
    %dot_general3A = arith.constant dense<0.000000e+00> : vector<10000x16xf32>
    %dot_general3A_36 = tpu.matmul %max3A_32, %get3A_35, %dot_general3A {dimension_numbers = #tpu.dot_dimension_numbers<[1], [1], [0], [0], [0, 0, 1, 0], [], []>, transpose_lhs_hint = false} : vector<10000x16xf32>, vector<16x16xf32>, vector<10000x16xf32> -> vector<10000x16xf32>
    %swap3A = arith.constant 0 : index
    %swap3A_37 = arith.constant 0 : index
    %swap3A_38 = vector.load %arg7[%swap3A, %swap3A_37] : memref<10000x16xf32, #tpu.memory_space<vmem>>, vector<10000x16xf32>
    tpu.vector_store %arg7[%swap3A, %swap3A_37], %dot_general3A_36 {strides = array<i32>} : memref<10000x16xf32, #tpu.memory_space<vmem>>, vector<10000x16xf32>,
    %get3A_39 = arith.constant 0 : index
    %get3A_40 = arith.constant 0 : index
    %get3A_41 = vector.load %arg6[%get3A_39, %get3A_40] : memref<16x16xf32, #tpu.memory_space<vmem>>, vector<16x16xf32>
    %dot_general3A_42 = arith.constant dense<0.000000e+00> : vector<10000x16xf32>
    %dot_general3A_43 = tpu.matmul %max3A_32, %get3A_41, %dot_general3A_42 {dimension_numbers = #tpu.dot_dimension_numbers<[1], [1], [0], [0], [0, 0, 1, 0], [], []>, transpose_lhs_hint = false} : vector<10000x16xf32>, vector<16x16xf32>, vector<10000x16xf32> -> vector<10000x16xf32>
    %swap3A_44 = arith.constant 0 : index
    %swap3A_45 = arith.constant 0 : index
    %swap3A_46 = vector.load %arg8[%swap3A_44, %swap3A_45] : memref<10000x16xf32, #tpu.memory_space<vmem>>, vector<10000x16xf32>
    tpu.vector_store %arg8[%swap3A_44, %swap3A_45], %dot_general3A_43 {strides = array<i32>} : memref<10000x16xf32, #tpu.memory_space<vmem>>, vector<10000x16xf32>,
    return
  }
  func.func @transform_0(%arg0: i32) -> (i32, i32, i32) {
    %c0_i32 = arith.constant 0 : i32
    %c0_i32_0 = arith.constant 0 : i32
    %c0_i32_1 = arith.constant 0 : i32
    %c0_i32_2 = arith.constant 0 : i32
    return %c0_i32, %c0_i32_0, %c0_i32_1 : i32, i32, i32
  }
  func.func @transform_1(%arg0: i32) -> (i32, i32) {
    %c0_i32 = arith.constant 0 : i32
    %c0_i32_0 = arith.constant 0 : i32
    %c0_i32_1 = arith.constant 0 : i32
    return %c0_i32, %c0_i32_0 : i32, i32
  }
  func.func @transform_2(%arg0: i32) -> (i32, i32) {
    %c0_i32 = arith.constant 0 : i32
    %c0_i32_0 = arith.constant 0 : i32
    %c0_i32_1 = arith.constant 0 : i32
    return %c0_i32, %c0_i32_0 : i32, i32
  }
  func.func @transform_3(%arg0: i32) -> (i32, i32) {
    %c0_i32 = arith.constant 0 : i32
    %c0_i32_0 = arith.constant 0 : i32
    %c0_i32_1 = arith.constant 0 : i32
    return %c0_i32, %c0_i32_0 : i32, i32
  }
  func.func @transform_4(%arg0: i32) -> (i32, i32) {
    %c0_i32 = arith.constant 0 : i32
    %c0_i32_0 = arith.constant 0 : i32
    %c0_i32_1 = arith.constant 0 : i32
    return %c0_i32, %c0_i32_0 : i32, i32
  }
  func.func @transform_5(%arg0: i32) -> (i32, i32) {
    %c0_i32 = arith.constant 0 : i32
    %c0_i32_0 = arith.constant 0 : i32
    %c0_i32_1 = arith.constant 0 : i32
    return %c0_i32, %c0_i32_0 : i32, i32
  }
  func.func @transform_6(%arg0: i32) -> (i32, i32) {
    %c0_i32 = arith.constant 0 : i32
    %c0_i32_0 = arith.constant 0 : i32
    %c0_i32_1 = arith.constant 0 : i32
    return %c0_i32, %c0_i32_0 : i32, i32
  }
  func.func @transform_7(%arg0: i32) -> (i32, i32) {
    %c0_i32 = arith.constant 0 : i32
    %c0_i32_0 = arith.constant 0 : i32
    %c0_i32_1 = arith.constant 0 : i32
    return %c0_i32, %c0_i32_0 : i32, i32
  }
}

module attributes {stable_mosaic.version = 14 : i64} {
  func.func @_stage_c(%arg0: i32, %arg1: memref<2x10000x16xf32, #tpu.memory_space<vmem>>, %arg2: memref<2x10240xf32, #tpu.memory_space<vmem>>, %arg3: memref<10000x16xf32, #tpu.memory_space<vmem>>, %arg4: memref<1x16xf32, #tpu.memory_space<vmem>>, %arg5: memref<40x16xf32, #tpu.memory_space<vmem>>, %arg6: memref<1x40xf32, #tpu.memory_space<vmem>>, %arg7: memref<10000x40xf32, #tpu.memory_space<vmem>>) attributes {dimension_semantics = [#tpu.dimension_semantics<arbitrary>], iteration_bounds = array<i64: 1>, scalar_prefetch = 0 : i64, scratch_operands = 0 : i64, tpu.core_type = #tpu.core_type<tc>, window_params = [{transform_indices = @transform_0, window_bounds = array<i64: 2, 10000, 16>}, {pipeline_mode = #tpu.pipeline_mode<synchronous>, transform_indices = @transform_1, window_bounds = array<i64: 2, 10240>}, {pipeline_mode = #tpu.pipeline_mode<synchronous>, transform_indices = @transform_2, window_bounds = array<i64: 10000, 16>}, {pipeline_mode = #tpu.pipeline_mode<synchronous>, transform_indices = @transform_3, window_bounds = array<i64: 1, 16>}, {pipeline_mode = #tpu.pipeline_mode<synchronous>, transform_indices = @transform_4, window_bounds = array<i64: 40, 16>}, {pipeline_mode = #tpu.pipeline_mode<synchronous>, transform_indices = @transform_5, window_bounds = array<i64: 1, 40>}, {pipeline_mode = #tpu.pipeline_mode<synchronous>, transform_indices = @transform_6, window_bounds = array<i64: 10000, 40>}]} {
    %get3A = arith.constant 0 : index
    %get3A_0 = arith.constant 0 : index
    %get3A_1 = vector.load %arg2[%get3A, %get3A_0] : memref<2x10240xf32, #tpu.memory_space<vmem>>, vector<1x10000xf32>
    %get3A_2 = vector.shape_cast %get3A_1 : vector<1x10000xf32> to vector<10000xf32>
    %get3A_3 = arith.constant 1 : index
    %get3A_4 = arith.constant 0 : index
    %get3A_5 = vector.load %arg2[%get3A_3, %get3A_4] : memref<2x10240xf32, #tpu.memory_space<vmem>>, vector<1x10000xf32>
    %get3A_6 = vector.shape_cast %get3A_5 : vector<1x10000xf32> to vector<10000xf32>
    %add3A = arith.addf %get3A_2, %get3A_6 : vector<10000xf32>
    %max3A = arith.constant 1.000000e+00 : f32
    %max3A_7 = vector.broadcast %max3A : f32 to vector<10000xf32>
    %max3A_8 = arith.maximumf %add3A, %max3A_7 : vector<10000xf32>
    %broadcast_in_dim3A = vector.shape_cast %max3A_8 : vector<10000xf32> to vector<10000x1xf32>
    %get3A_9 = arith.constant 0 : index
    %get3A_10 = arith.constant 0 : index
    %get3A_11 = arith.constant 0 : index
    %get3A_12 = vector.load %arg1[%get3A_9, %get3A_10, %get3A_11] : memref<2x10000x16xf32, #tpu.memory_space<vmem>>, vector<1x10000x16xf32>
    %get3A_13 = vector.shape_cast %get3A_12 : vector<1x10000x16xf32> to vector<10000x16xf32>
    %get3A_14 = arith.constant 1 : index
    %get3A_15 = arith.constant 0 : index
    %get3A_16 = arith.constant 0 : index
    %get3A_17 = vector.load %arg1[%get3A_14, %get3A_15, %get3A_16] : memref<2x10000x16xf32, #tpu.memory_space<vmem>>, vector<1x10000x16xf32>
    %get3A_18 = vector.shape_cast %get3A_17 : vector<1x10000x16xf32> to vector<10000x16xf32>
    %add3A_19 = arith.addf %get3A_13, %get3A_18 : vector<10000x16xf32>
    %div3A = vector.broadcast %broadcast_in_dim3A : vector<10000x1xf32> to vector<10000x16xf32>
    %div3A_20 = arith.divf %add3A_19, %div3A : vector<10000x16xf32>
    %get3A_21 = arith.constant 0 : index
    %get3A_22 = arith.constant 0 : index
    %get3A_23 = vector.load %arg4[%get3A_21, %get3A_22] : memref<1x16xf32, #tpu.memory_space<vmem>>, vector<1x16xf32>
    %add3A_24 = vector.broadcast %get3A_23 : vector<1x16xf32> to vector<10000x16xf32>
    %add3A_25 = arith.addf %div3A_20, %add3A_24 : vector<10000x16xf32>
    %get3A_26 = arith.constant 0 : index
    %get3A_27 = arith.constant 0 : index
    %get3A_28 = vector.load %arg3[%get3A_26, %get3A_27] : memref<10000x16xf32, #tpu.memory_space<vmem>>, vector<10000x16xf32>
    %add3A_29 = arith.addf %add3A_25, %get3A_28 : vector<10000x16xf32>
    %max3A_30 = arith.constant 0.000000e+00 : f32
    %max3A_31 = vector.broadcast %max3A_30 : f32 to vector<10000x16xf32>
    %max3A_32 = arith.maximumf %add3A_29, %max3A_31 : vector<10000x16xf32>
    %get3A_33 = arith.constant 0 : index
    %get3A_34 = arith.constant 0 : index
    %get3A_35 = vector.load %arg5[%get3A_33, %get3A_34] : memref<40x16xf32, #tpu.memory_space<vmem>>, vector<40x16xf32>
    %dot_general3A = arith.constant dense<0.000000e+00> : vector<10000x40xf32>
    %dot_general3A_36 = tpu.matmul %max3A_32, %get3A_35, %dot_general3A {dimension_numbers = #tpu.dot_dimension_numbers<[1], [1], [0], [0], [0, 0, 1, 0], [], []>, transpose_lhs_hint = false} : vector<10000x16xf32>, vector<40x16xf32>, vector<10000x40xf32> -> vector<10000x40xf32>
    %get3A_37 = arith.constant 0 : index
    %get3A_38 = arith.constant 0 : index
    %get3A_39 = vector.load %arg6[%get3A_37, %get3A_38] : memref<1x40xf32, #tpu.memory_space<vmem>>, vector<1x40xf32>
    %add3A_40 = vector.broadcast %get3A_39 : vector<1x40xf32> to vector<10000x40xf32>
    %add3A_41 = arith.addf %dot_general3A_36, %add3A_40 : vector<10000x40xf32>
    %reduce_max3A = arith.constant dense<0xFF800000> : vector<10000xf32>
    %reduce_max3A_42 = vector.multi_reduction <maximumf>, %add3A_41, %reduce_max3A [1] : vector<10000x40xf32> to vector<10000xf32>
    %broadcast_in_dim3A_43 = vector.shape_cast %reduce_max3A_42 : vector<10000xf32> to vector<10000x1xf32>
    %sub3A = vector.broadcast %broadcast_in_dim3A_43 : vector<10000x1xf32> to vector<10000x40xf32>
    %sub3A_44 = arith.subf %add3A_41, %sub3A : vector<10000x40xf32>
    %exp3A = math.exp %sub3A_44 : vector<10000x40xf32>
    %reduce_sum3A = arith.constant dense<0.000000e+00> : vector<10000xf32>
    %reduce_sum3A_45 = vector.multi_reduction <add>, %exp3A, %reduce_sum3A [1] : vector<10000x40xf32> to vector<10000xf32>
    %broadcast_in_dim3A_46 = vector.shape_cast %reduce_sum3A_45 : vector<10000xf32> to vector<10000x1xf32>
    %log3A = math.log %broadcast_in_dim3A_46 : vector<10000x1xf32>
    %add3A_47 = arith.addf %log3A, %broadcast_in_dim3A_43 : vector<10000x1xf32>
    %sub3A_48 = vector.broadcast %add3A_47 : vector<10000x1xf32> to vector<10000x40xf32>
    %sub3A_49 = arith.subf %add3A_41, %sub3A_48 : vector<10000x40xf32>
    %swap3A = arith.constant 0 : index
    %swap3A_50 = arith.constant 0 : index
    %swap3A_51 = vector.load %arg7[%swap3A, %swap3A_50] : memref<10000x40xf32, #tpu.memory_space<vmem>>, vector<10000x40xf32>
    tpu.vector_store %arg7[%swap3A, %swap3A_50], %sub3A_49 {strides = array<i32>} : memref<10000x40xf32, #tpu.memory_space<vmem>>, vector<10000x40xf32>,
    return
  }
  func.func @transform_0(%arg0: i32) -> (i32, i32, i32) {
    %c0_i32 = arith.constant 0 : i32
    %c0_i32_0 = arith.constant 0 : i32
    %c0_i32_1 = arith.constant 0 : i32
    %c0_i32_2 = arith.constant 0 : i32
    return %c0_i32, %c0_i32_0, %c0_i32_1 : i32, i32, i32
  }
  func.func @transform_1(%arg0: i32) -> (i32, i32) {
    %c0_i32 = arith.constant 0 : i32
    %c0_i32_0 = arith.constant 0 : i32
    %c0_i32_1 = arith.constant 0 : i32
    return %c0_i32, %c0_i32_0 : i32, i32
  }
  func.func @transform_2(%arg0: i32) -> (i32, i32) {
    %c0_i32 = arith.constant 0 : i32
    %c0_i32_0 = arith.constant 0 : i32
    %c0_i32_1 = arith.constant 0 : i32
    return %c0_i32, %c0_i32_0 : i32, i32
  }
  func.func @transform_3(%arg0: i32) -> (i32, i32) {
    %c0_i32 = arith.constant 0 : i32
    %c0_i32_0 = arith.constant 0 : i32
    %c0_i32_1 = arith.constant 0 : i32
    return %c0_i32, %c0_i32_0 : i32, i32
  }
  func.func @transform_4(%arg0: i32) -> (i32, i32) {
    %c0_i32 = arith.constant 0 : i32
    %c0_i32_0 = arith.constant 0 : i32
    %c0_i32_1 = arith.constant 0 : i32
    return %c0_i32, %c0_i32_0 : i32, i32
  }
  func.func @transform_5(%arg0: i32) -> (i32, i32) {
    %c0_i32 = arith.constant 0 : i32
    %c0_i32_0 = arith.constant 0 : i32
    %c0_i32_1 = arith.constant 0 : i32
    return %c0_i32, %c0_i32_0 : i32, i32
  }
  func.func @transform_6(%arg0: i32) -> (i32, i32) {
    %c0_i32 = arith.constant 0 : i32
    %c0_i32_0 = arith.constant 0 : i32
    %c0_i32_1 = arith.constant 0 : i32
    return %c0_i32, %c0_i32_0 : i32, i32
  }
}

</mosaic_0001>

<sc_bundles>
// kernel: kernel.10.cloned.1.call-start
scs
__scs_entry_jumppad:
0x0: {  	(pc) =	sbr.rel $0x88, $3  }
0x1: {  	(tag) =	ssettag $0x0;
	lr =	simm.s32 $0x1  }
0x2: {  	[smem:$0x3F97] =	sst lr;
	_ =	strace $0xD0000000  }
0x3: {  	_ = 	snop  }
0x4: {  	_ = 	snop  }
0x5: {  	_ = 	snop  }
0x6: {  	_ = 	snop  }
0x7: {  	_ = 	snop  }
__scs_overlays_trampoline_lowered:
0x8: {  	[smem:$0x3FA6] =	sst s0  }
0x9: {  	[smem:$0x3FA7] =	sst s1  }
0xa: {  	[smem:$0x3FA8] =	sst s2  }
0xb: {  	[smem:$0x3FA9] =	sst s3  }
0xc: {  	[smem:$0x3FAA] =	sst s4  }
0xd: {  	[smem:$0x3FAB] =	sst s5  }
0xe: {  	[smem:$0x3FAC] =	sst s6  }
0xf: {  	[smem:$0x3FAD] =	sst s7  }
0x10: {  	[smem:$0x3FAE] =	sst s8  }
0x11: {  	[smem:$0x3FAF] =	sst s9;
	s0 =	simm.s32 @!p0 $0x0  }
0x12: {  	s1 =	sld [smem:$0x3F95];
	s0 =	simm.s32 @p0 $0x1  }
0x13: {  	[smem:$0x3FB0] =	sst s0;
	s0 =	simm.s32 @!p1 $0x0  }
0x14: {  	s2 =	sld [smem:$0x3F94];
	s0 =	simm.s32 @p1 $0x1  }
0x15: {  	[smem:$0x3FB1] =	sst s0;
	s0 =	simm.s32 @!p2 $0x0  }
0x16: {  	s3 =	sld [smem:$0x3FDB];
	s0 =	simm.s32 @p2 $0x1  }
0x17: {  	s4 =	simm.s32 $0x1BF5;
	[smem:$0x3FB3] =	sst s0  }
0x18: {  	s0 =	sld [smem:$0x3F96];
	_ =	swait.ge [sflag:s4], $0x0  }
0x19: {  	s7 =	sld [smem:$0x3F97]  }
0x1a: {  	s8 =	sadd.s32 $0xFFFFE003, lr  }
0x1b: {  	s9 =	sadd.s32 $0xFFFFFEF7, lr;
	s5 =	simm.s32 $0xFFFFFFFF;
	p2 =	slt.u32 s8, $0xFFFFF086  }
0x1c: {  	p1 =	slt.u32 s9, $0xF7A;
	s5 =	simm.s32 @!p2 $0x0  }
0x1d: {  	s5 =	simm.s32 @p1 $0x1;
	p0 =	seq.s32 s7, s2  }
0x1e: {  	s7 =	smul.u32 @!p0 $0xF7A, s2;
	p2 =	seq.s32 @!p0 s5, $0x0  }
0x1f: {  	s9 =	smul.u32 $0xF7A, s1;
	s8 =	simm.s32 @!p0 $0x1BF5;
	p2 =	por !p2, p0  }
0x20: {  	[sflag:s8] =	ssyncset.s32 @!p0 $0xFFFFF086;
	s6 =	sadd.s32 @!p0 s3, s7;
	s7 =	simm.s32 @!p0 $0x108  }
0x21: {  	s3 =	sadd.s32 s3, s9;
	s6 =	sadd.s32 @!p0 $0x88, s6;
	s7 =	simm.s32 @p2 $0x1082  }
0x22: {  	[simem:s7], [sflag:s8] =	dma.local @!p0 [hbm:s6], $0xF7A  }
0x23: {  	s9 =	sor.u32 $0xD0000000, s2;
	s6 =	simm.s32 $0x108;
	_ =	swait.ge @!p0 [sflag:s8], $0x0  }
0x24: {  	s3 =	sadd.s32 $0x88, s3;
	s6 =	simm.s32 @!p1 $0x1082;
	[sflag:s4] =	ssyncset.s32 $0xFFFFF086  }
0x25: {  	[simem:s6], [sflag:s4] =	dma.local [hbm:s3], $0xF7A  }
0x26: {  	[smem:$0x3F97] =	sst s1;
	(tag) =	ssettag s2;
	_ =	strace s9  }
0x27: {  	s1 =	sld [smem:$0x3FA7]  }
0x28: {  	s2 =	sld [smem:$0x3FA8]  }
0x29: {  	s4 =	sld [smem:$0x3FAA]  }
0x2a: {  	p0 =	seq.s32 s5, $0x0;
	s5 =	sld [smem:$0x3FAB]  }
0x2b: {  	s6 =	sld [smem:$0x3FAC]  }
0x2c: {  	s7 =	sld [smem:$0x3FAD]  }
0x2d: {  	s3 =	simm.s32 $0x108;
	s8 =	sld [smem:$0x3FAE]  }
0x2e: {  	s3 =	simm.s32 @!p0 $0x1082;
	s9 =	sld [smem:$0x3FAF]  }
0x2f: {  	lr =	sadd.s32 s0, s3;
	s0 =	sld [smem:$0x3FA6]  }
0x30: {  	s3 =	sld [smem:$0x3FA9]  }
0x31: {  	[smem:$0x3FB2] =	sst s10  }
0x32: {  	s10 =	sld [smem:$0x3FB0];
	_ =	sdelay $0x3  }
0x33: {  	p0 =	seq.s32 s10, $0x1;
	s10 =	sld [smem:$0x3FB2];
	_ =	sdelay $0x3  }
0x34: {  	[smem:$0x3FB2] =	sst s10  }
0x35: {  	s10 =	sld [smem:$0x3FB1];
	_ =	sdelay $0x3  }
0x36: {  	p1 =	seq.s32 s10, $0x1;
	s10 =	sld [smem:$0x3FB2];
	_ =	sdelay $0x3  }
0x37: {  	[smem:$0x3FB2] =	sst s10  }
0x38: {  	s10 =	sld [smem:$0x3FB3]  }
0x39: {  	_ = 	snop;
	(pc) =	sbr.ind lr, $3  }
0x3a: {  	_ = 	snop  }
0x3b: {  	_ = 	snop  }
0x3c: {  	p2 =	seq.s32 s10, $0x1;
	s10 =	sld [smem:$0x3FB2]  }
0x3d: {  	_ =	shalt  }
0x3e: {  	_ =	shalt  }
0x3f: {  	_ =	shalt  }
0x40: {  	_ =	shalt  }
0x41: {  	_ =	shalt  }
0x42: {  	_ =	shalt  }
0x43: {  	_ =	shalt  }
0x44: {  	_ =	shalt  }
0x45: {  	_ =	shalt  }
0x46: {  	_ =	shalt  }
0x47: {  	_ =	shalt  }
0x48: {  	_ =	shalt  }
0x49: {  	_ =	shalt  }
0x4a: {  	_ =	shalt  }
0x4b: {  	_ =	shalt  }
0x4c: {  	_ =	shalt  }
0x4d: {  	_ =	shalt  }
0x4e: {  	_ =	shalt  }
0x4f: {  	_ =	shalt  }
0x50: {  	_ =	shalt  }
0x51: {  	_ =	shalt  }
0x52: {  	_ =	shalt  }
0x53: {  	_ =	shalt  }
0x54: {  	_ =	shalt  }
0x55: {  	_ =	shalt  }
0x56: {  	_ =	shalt  }
0x57: {  	_ =	shalt  }
0x58: {  	_ =	shalt  }
0x59: {  	_ =	shalt  }
0x5a: {  	_ =	shalt  }
0x5b: {  	_ =	shalt  }
0x5c: {  	_ =	shalt  }
0x5d: {  	_ =	shalt  }
0x5e: {  	_ =	shalt  }
0x5f: {  	_ =	shalt  }
0x60: {  	_ =	shalt  }
0x61: {  	_ =	shalt  }
0x62: {  	_ =	shalt  }
0x63: {  	_ =	shalt  }
0x64: {  	_ =	shalt  }
0x65: {  	_ =	shalt  }
0x66: {  	_ =	shalt  }
0x67: {  	_ =	shalt  }
0x68: {  	_ =	shalt  }
0x69: {  	_ =	shalt  }
0x6a: {  	_ =	shalt  }
0x6b: {  	_ =	shalt  }
0x6c: {  	_ =	shalt  }
0x6d: {  	_ =	shalt  }
0x6e: {  	_ =	shalt  }
0x6f: {  	_ =	shalt  }
0x70: {  	_ =	shalt  }
0x71: {  	_ =	shalt  }
0x72: {  	_ =	shalt  }
0x73: {  	_ =	shalt  }
0x74: {  	_ =	shalt  }
0x75: {  	_ =	shalt  }
0x76: {  	_ =	shalt  }
0x77: {  	_ =	shalt  }
0x78: {  	_ =	shalt  }
0x79: {  	_ =	shalt  }
0x7a: {  	_ =	shalt  }
0x7b: {  	_ =	shalt  }
0x7c: {  	_ =	shalt  }
0x7d: {  	_ =	shalt  }
0x7e: {  	_ =	shalt  }
0x7f: {  	_ =	shalt  }
0x80: {  	_ =	shalt  }
0x81: {  	_ =	shalt  }
0x82: {  	_ =	shalt  }
0x83: {  	_ =	shalt  }
0x84: {  	_ =	shalt  }
0x85: {  	_ =	shalt  }
0x86: {  	_ =	shalt  }
0x87: {  	_ =	shalt  }
.Lfunc_end0:
.L_simem_size_0:
called_computation.1_lowered:
.L_overlay_start_0:
0x88: {  	s2 =	sld [smem:$0x3FD9]  }
0x89: {  	s3 =	sld [smem:$0x3FFE];
	_ =	sdelay $0x1  }
0x8a: {  	s1 =	srdreg.scid  }
0x8b: {  	s0 =	sand.u32 $0x1, s1  }
0x8c: {  	s17 =	sshll.u32 s0, $0xA;
	s2 =	sadd.s32 s3, s2  }
0x8d: {  	s2 =	sadd.s32 s2, s17  }
0x8e: {  	[smem:$0x3FBE] =	sst s2  }
0x8f: {  	_ = 	snop  }
0x90: {  	s2 =	sld [smem:$0x3FD0];
	(tm) =	ssettm $0x1  }
0x91: {  	s18 =	sld [smem:$0x3FFB];
	_ =	sdelay $0x3  }
0x92: {  	_ =	strace s18  }
0x93: {  	s3 =	sld [smem:$0x3FFC];
	_ =	sdelay $0x3  }
0x94: {  	_ =	strace s3  }
0x95: {  	s3 =	sld [smem:$0x3FFD];
	_ =	sdelay $0x3  }
0x96: {  	_ =	strace s3  }
0x97: {  	_ =	strace $0x8FFFFFFF  }
0x98: {  	s19 =	sld [smem:$0x3FDB];
	_ =	sdelay $0x1  }
0x99: {  	s4 =	simm.s32 $_scs_section_size  }
0x9a: {  	s5 =	simm.s32 $_size__tile_overlayer_lowered;
	s6 =	simm.s32 $_tile_overlayer_lowered  }
0x9b: {  	s22 =	simm.s32 $0x1BFF;
	s21 =	sshll.u32 s6, $0x1;
	s3 =	sadd.s32 s4, s19  }
0x9c: {  	s7 =	simm.s32 $0x0;
	s20 =	sshll.u32 s5, $0x1;
	s5 =	sadd.s32 s21, s3  }
0x9d: {  	[timem:s7], [sflag:s22] =	dma.local [hbm:s5], s20  }
0x9e: {  	_ =	swait.ge [sflag:s22], s20  }
0x9f: {  	s4 =	ssub.s32 $0x0, s20;
	[sflag:s22] =	ssyncset.done $0x0  }
0xa0: {  	[sflag:s22] =	ssyncadd.s32 s4;
	_ =	sdelay $0x1  }
0xa1: {  	s23 =	simm.s32 $0x1B8B  }
0xa2: {  	_ =	swait.ge [sflag:s23], $0x1  }
0xa3: {  	[sflag:s23] =	ssyncset.done $0x0  }
0xa4: {  	s25 =	simm.s32 $0x1B8E;
	s24 =	sld [smem:$0x3FFE];
	[sflag:s23] =	ssyncadd.s32 $0xFFFFFFFF  }
0xa5: {  	s26 =	simm.s32 $execute0_lowered;
	[smem:$0x3FD2] =	sst s25  }
0xa6: {  	s5 =	sshll.u32 s26, $0x1;
	_ =	strace $0x80000049;
	[dreg:$0x1] =	wrdreg $0xFFFFFFFF  }
0xa7: {  	s28 =	simm.s32 $_size_execute0_lowered;
	s3 =	sadd.s32 s3, s5;
	[dreg:$0x0] =	wrdreg $0x0  }
0xa8: {  	s5 =	sshll.u32 s28, $0x1;
	[dreg:$0x2] =	wrdreg s3  }
0xa9: {  	[dreg:$0x3] =	wrdreg s5  }
0xaa: {  	[dreg:$0x4] =	wrdreg $0xC0  }
0xab: {  	_ =	task [dreg:s7], $0x5FFFF  }
0xac: {  	[dreg:$0x1] =	wrdreg $0xFFFFFFFF  }
0xad: {  	[dreg:$0x0] =	wrdreg $0x60  }
0xae: {  	[dreg:$0x2] =	wrdreg s24  }
0xaf: {  	[dreg:$0x3] =	wrdreg s2  }
0xb0: {  	[dreg:$0x4] =	wrdreg $0x170200  }
0xb1: {  	[dreg:$0x5] =	wrdreg $0x9  }
0xb2: {  	_ =	task.clear_ibuf [dreg:s7], $0x6FFFF;
	_ =	strace $0x90000049  }
0xb3: {  	s29 =	simm.s32 $0x9;
	_ =	strace $0x8000004B  }
0xb4: {  	_ =	swait.ge [sflag:s29], $0x1  }
0xb5: {  	[sflag:s29] =	ssyncadd.s32 $0xFFFFFFFF  }
0xb6: {  	_ =	strace $0x9000004B  }
0xb7: {  	_ =	sfence  }
0xb8: {  	s30 =	sld [smem:$0x0];
	_ =	sdelay $0x2  }
0xb9: {  	s31 =	sshll.u32 s1, $0xD;
	s1 =	sshrl.u32 s1, $0x2  }
0xba: {  	s3 =	sand.u32 $0x4000, s31;
	s1 =	sadd.s32 s1, s30  }
0xbb: {  	s0 =	sor.u32 s3, s0;
	s1 =	sshll.u32 s1, $0x11  }
0xbc: {  	s0 =	sor.u32 s1, s0  }
0xbd: {  	s0 =	sadd.s32 $0x8F2B, s0  }
0xbe: {  	[sflag:s0] =	ssyncadd.remote.s32 $0x1  }
0xbf: {  	_ =	sfence.sel $0xFFFF  }
0xc0: {  	[dreg:$0x0] =	wrdreg $0xFFFFFFFF;
	(pc) =	sbr.abs _section_cstart, $3  }
0xc1: {  	[dreg:$0x1] =	wrdreg $0xFFFFFFFF  }
0xc2: {  	_ =	task.clear_ibuf [dreg:s7], $0x2FFFF;
	_ =	strace $0x9FFFFFFF  }
0xc3: {  	(tm) =	ssettm $0x7FFFFFFF  }
tec
execute0_lowered:
.L_overlay_start_1:
0x0: {  	(tag) =	ssettag $0x1  }
0x1: {  	s5 =	rddreg [dreg:$0x0]  }
0x2: {  	s1 =	srdreg.scid;
	s8 =	rddreg [dreg:$0x1]  }
0x3: {  	s0 =	stileid.u32;
	s2 =	rddreg [dreg:$0x2];
	s3 =	simm.s32 $0x0  }
0x4: {  	s12 =	simm.s32 $0x5;
	s13 =	simm.s32 $0x3;
	s14 =	simm.s32 $0x4  }
0x5: {  	s15 =	simm.s32 $0x7D0;
	s16 =	simm.s32 $0x4E20;
	s17 =	simm.s32 $0x1  }
0x6: {  	s18 =	simm.s32 $0xCB20;
	s19 =	simm.s32 $0x2;
	s20 =	simm.s32 $0x2EE0  }
0x7: {  	s21 =	simm.s32 $0xFA0;
	s22 =	simm.s32 $0x36B0;
	s23 =	simm.s32 $0x1770  }
0x8: {  	s24 =	simm.s32 $0x3E80;
	s25 =	simm.s32 $0x1F40;
	s26 =	simm.s32 $0x4650  }
0x9: {  	s28 =	simm.s32 $0x0;
	s4 =	sand.u32 $0x1, s1;
	s31 =	sshll.u32 s0, $0x1  }
0xa: {  	s7 =	smul.u32 $0x2800, s0;
	[smem:$0x7FF] =	sst s3;
	s1 =	sor.u32 s4, s31  }
0xb: {  	s9 =	ssub.s32 $0x2, s4;
	s10 =	smul.u32 $0x28000, s4;
	s4 =	sadd.s32 $0x15600, s5  }
0xc: {  	s6 =	smul.u32 $0x4E2, s1;
	s1 =	rddreg [dreg:$0x3];
	s11 =	sshrl.u32 s9, $0x1  }
0xd: {  	_ =	strace $0x8000004A;
	s9 =	ssub.s32 s9, s11;
	s10 =	sadd.s32 s7, s10  }
0xe: {  	s7 =	sadd.s32 s7, s2;
	s11 =	simm.s32 $0x14820;
	s6 =	sadd.s32 s6, s5  }
0xf: {  	s10 =	sshrl.u32 s10, $0x3;
	s9 =	smax.u32 s9, $0x1;
	s5 =	sadd.s32 $0xB800, s6  }
0x10: {  	v0 =	vimm.f32 $0.0e+00;
	s6 =	sadd.s32 $0x1A00, s6;
	s8 =	sadd.s32 s8, s10;
	s10 =	simm.s32 $0x2710  }
.LBB2_1:
0x11: {  	[tilespmem:s3], [sflag:$0x3] =	stream.linear.gather [hbm4b:s5+s3], $0x2710, $0x38;
	[tilespmem:$0x19820] =	vst v63  }
0x12: {  	s29 =	simm.s32 $0x40;
	s30 =	simm.s32 $0x0  }
0x13: {  	[tilespmem:s10], [sflag:$0x4] =	stream.linear.gather [hbm4b:s6+s3], $0x2710, $0x38;
	[tilespmem:$0x19820] =	vst v63  }
.LBB2_2:
0x14: {  	p0 =	sne.s32 s29, $0x9FC0;
	[tilespmem:s30+$0x14820] =	vst v0;
	s30 =	smov.u32 s29;
	s29 =	sadd.s32 $0x40, s29  }
.Ltmp0:
0x15: {  	(pc) =	sbr.rel @p0 .LBB2_2-.Ltmp0, $2  }
0x16: {  	_ =	sdelay $0x2  }
0x17: {  	s30 =	sshra.s32 s30, $0x2  }
0x18: {  	[tilespmem:s30+$0x14820] =	vst v0  }
0x19: {  	[spmem:s7] =	stream.linear.scatter [tilespmem:s11], [sflag:$0x5], $0x2800, $0x38;
	[tilespmem:$0x19820] =	vst v63  }
0x1a: {  	_ =	swait.ge [sflag:s12], $0x2800  }
0x1b: {  	[sflag:s12] =	ssyncset.done $0x0  }
0x1c: {  	[sflag:s12] =	ssyncadd.s32 $0xFFFFD800  }
0x1d: {  	[bflag:$0x0] =	sbarrier.arrive $0xFFFF  }
0x1e: {  	_ =	swait.ge [sflag:s13], $0x2710  }
0x1f: {  	[sflag:s13] =	ssyncset.done $0x0  }
0x20: {  	[sflag:s13] =	ssyncadd.s32 $0xFFFFD8F0  }
0x21: {  	_ =	swait.ge [sflag:s14], $0x2710  }
0x22: {  	[sflag:s14] =	ssyncset.done $0x0  }
0x23: {  	[sflag:s14] =	ssyncadd.s32 $0xFFFFD8F0  }
0x24: {  	[tilespmem:s16], [sflag:$0x1] =	stream.indirect.gather [hbm4b:s4+s15], $0x10, s3, s15, $0xb8;
	[tilespmem:$0x19820] =	vst v63  }
0x25: {  	_ =	swait.ge [sflag:s17], $0x7D00  }
0x26: {  	[sflag:s17] =	ssyncset.done $0x0  }
0x27: {  	[sflag:s17] =	ssyncadd.s32 $0xFFFF8300  }
0x28: {  	[spmem:s2] =	stream.indirect.scatter.add.f32 [tilespmem:s16], [sflag:$0x3], $0x10, s10, s15, $0xb8;
	[tilespmem:$0x19820] =	vst v63  }
0x29: {  	_ = 	snop  }
0x2a: {  	[tilespmem:s18], [sflag:$0x2] =	stream.indirect.gather [hbm4b:s4+s15], $0x10, s15, s15, $0xb8;
	[tilespmem:$0x19820] =	vst v63  }
0x2b: {  	_ =	swait.ge [sflag:s19], $0x7D00  }
0x2c: {  	[sflag:s19] =	ssyncset.done $0x0  }
0x2d: {  	[sflag:s19] =	ssyncadd.s32 $0xFFFF8300  }
0x2e: {  	[spmem:s2] =	stream.indirect.scatter.add.f32 [tilespmem:s18], [sflag:$0x4], $0x10, s20, s15, $0xb8;
	[tilespmem:$0x19820] =	vst v63  }
0x2f: {  	_ =	swait.ge [sflag:s13], $0x7D00  }
0x30: {  	[sflag:s13] =	ssyncset.done $0x0  }
0x31: {  	[sflag:s13] =	ssyncadd.s32 $0xFFFF8300  }
0x32: {  	[tilespmem:s16], [sflag:$0x1] =	stream.indirect.gather [hbm4b:s4+s15], $0x10, s21, s15, $0xb8;
	[tilespmem:$0x19820] =	vst v63  }
0x33: {  	_ =	swait.ge [sflag:s17], $0x7D00  }
0x34: {  	[sflag:s17] =	ssyncset.done $0x0  }
0x35: {  	[sflag:s17] =	ssyncadd.s32 $0xFFFF8300  }
0x36: {  	[spmem:s2] =	stream.indirect.scatter.add.f32 [tilespmem:s16], [sflag:$0x3], $0x10, s22, s15, $0xb8;
	[tilespmem:$0x19820] =	vst v63  }
0x37: {  	_ =	swait.ge [sflag:s14], $0x7D00  }
0x38: {  	[sflag:s14] =	ssyncset.done $0x0  }
0x39: {  	[sflag:s14] =	ssyncadd.s32 $0xFFFF8300  }
0x3a: {  	[tilespmem:s18], [sflag:$0x2] =	stream.indirect.gather [hbm4b:s4+s15], $0x10, s23, s15, $0xb8;
	[tilespmem:$0x19820] =	vst v63  }
0x3b: {  	_ =	swait.ge [sflag:s19], $0x7D00  }
0x3c: {  	[sflag:s19] =	ssyncset.done $0x0  }
0x3d: {  	[sflag:s19] =	ssyncadd.s32 $0xFFFF8300  }
0x3e: {  	[spmem:s2] =	stream.indirect.scatter.add.f32 [tilespmem:s18], [sflag:$0x4], $0x10, s24, s15, $0xb8;
	[tilespmem:$0x19820] =	vst v63  }
0x3f: {  	_ =	swait.ge [sflag:s13], $0x7D00  }
0x40: {  	[sflag:s13] =	ssyncset.done $0x0  }
0x41: {  	[sflag:s13] =	ssyncadd.s32 $0xFFFF8300  }
0x42: {  	[tilespmem:s16], [sflag:$0x1] =	stream.indirect.gather [hbm4b:s4+s15], $0x10, s25, s15, $0xb8;
	[tilespmem:$0x19820] =	vst v63  }
0x43: {  	_ =	swait.ge [sflag:s17], $0x7D00  }
0x44: {  	[sflag:s17] =	ssyncset.done $0x0  }
0x45: {  	[sflag:s17] =	ssyncadd.s32 $0xFFFF8300  }
0x46: {  	[spmem:s2] =	stream.indirect.scatter.add.f32 [tilespmem:s16], [sflag:$0x3], $0x10, s26, s15, $0xb8;
	[tilespmem:$0x19820] =	vst v63  }
0x47: {  	_ =	swait.ge [sflag:s13], $0x7D00  }
0x48: {  	[sflag:s13] =	ssyncset.done $0x0  }
0x49: {  	[sflag:s13] =	ssyncadd.s32 $0xFFFF8300  }
0x4a: {  	_ =	swait.ge [sflag:s14], $0x7D00  }
0x4b: {  	s29 =	sshll.u32 s0, $0x6;
	s28 =	sadd.s32 $0x1, s28;
	[sflag:s14] =	ssyncset.done $0x0  }
0x4c: {  	s31 =	sshrl.u32 s7, $0x3;
	p0 =	sne.s32 s28, s9;
	[sflag:s14] =	ssyncadd.s32 $0xFFFF8300  }
.Ltmp1:
0x4d: {  	s29 =	sor.u32 $0x1C05, s29;
	[bflag:$0x0] =	sbarrier.arrive $0xFFFF;
	(pc) =	sbr.rel @p0 .LBB2_1-.Ltmp1, $4  }
0x4e: {  	[hbm:s8], [sflag:s29] =	dma.local [spmem:s31], $0x500  }
0x4f: {  	_ =	swait.ge [sflag:s12], $0x500  }
0x50: {  	[sflag:s12] =	ssyncset.done $0x0  }
0x51: {  	[sflag:s12] =	ssyncadd.s32 $0xFFFFFB00  }
0x52: {  	_ =	sfence.sel $0x180000  }
0x53: {  	[bflag:$0x0] =	sbarrier.arrive $0xFFFF  }
0x54: {  	p0 =	sne.s32 s0, $0x0;
	_ =	strace $0x9000004A  }
0x55: {  	s0 =	sadd.s32 @!p0 $0x100000, s1;
	[bflag:$0x2] =	sbarrier.arrive $0xFFFF  }
0x56: {  	[sflag:s0] =	ssyncadd.tile.s32 @!p0 $0x1;
	_ =	shalt  }
.Lfunc_end2:
_tile_overlayer_lowered:
.L_overlay_start_2:
0x57: {  	(tag) =	ssettag $0x2  }
0x58: {  	s0 =	rddreg [dreg:$0x0];
	s2 =	stileid.u32  }
0x59: {  	s1 =	rddreg [dreg:$0x1];
	p0 =	sne.s32 s2, $0x0  }
0x5a: {  	s3 =	rddreg [dreg:$0x2];
	[bflag:$0x3] =	sbarrier.arrive $0xFFFF;
	s2 =	simm.s32 @!p0 $0x1C05  }
0x5b: {  	[timem:s3], [sflag:s2] =	dma.local @!p0 [hbm:s0], s1  }
0x5c: {  	s0 =	simm.s32 @!p0 $0x5  }
0x5d: {  	_ =	swait.ge @!p0 [sflag:s0], s1  }
0x5e: {  	s1 =	ssub.s32 @!p0 $0x0, s1;
	[sflag:s0] =	ssyncset.done @!p0 $0x0  }
0x5f: {  	[sflag:s0] =	ssyncadd.s32 @!p0 s1  }
0x60: {  	[bflag:$0x3] =	sbarrier.arrive $0xFFFF  }
0x61: {  	_ =	shalt  }

// kernel: kernel.7.cloned.1.call-start
scs
__scs_entry_jumppad:
0x0: {  	(pc) =	sbr.rel $0x88, $3  }
0x1: {  	(tag) =	ssettag $0x0;
	lr =	simm.s32 $0x1  }
0x2: {  	[smem:$0x3F97] =	sst lr;
	_ =	strace $0xD0000000  }
0x3: {  	_ = 	snop  }
0x4: {  	_ = 	snop  }
0x5: {  	_ = 	snop  }
0x6: {  	_ = 	snop  }
0x7: {  	_ = 	snop  }
__scs_overlays_trampoline_lowered:
0x8: {  	[smem:$0x3FA6] =	sst s0  }
0x9: {  	[smem:$0x3FA7] =	sst s1  }
0xa: {  	[smem:$0x3FA8] =	sst s2  }
0xb: {  	[smem:$0x3FA9] =	sst s3  }
0xc: {  	[smem:$0x3FAA] =	sst s4  }
0xd: {  	[smem:$0x3FAB] =	sst s5  }
0xe: {  	[smem:$0x3FAC] =	sst s6  }
0xf: {  	[smem:$0x3FAD] =	sst s7  }
0x10: {  	[smem:$0x3FAE] =	sst s8  }
0x11: {  	[smem:$0x3FAF] =	sst s9;
	s0 =	simm.s32 @!p0 $0x0  }
0x12: {  	s1 =	sld [smem:$0x3F95];
	s0 =	simm.s32 @p0 $0x1  }
0x13: {  	[smem:$0x3FB0] =	sst s0;
	s0 =	simm.s32 @!p1 $0x0  }
0x14: {  	s2 =	sld [smem:$0x3F94];
	s0 =	simm.s32 @p1 $0x1  }
0x15: {  	[smem:$0x3FB1] =	sst s0;
	s0 =	simm.s32 @!p2 $0x0  }
0x16: {  	s3 =	sld [smem:$0x3FDB];
	s0 =	simm.s32 @p2 $0x1  }
0x17: {  	s4 =	simm.s32 $0x1BF5;
	[smem:$0x3FB3] =	sst s0  }
0x18: {  	s0 =	sld [smem:$0x3F96];
	_ =	swait.ge [sflag:s4], $0x0  }
0x19: {  	s7 =	sld [smem:$0x3F97]  }
0x1a: {  	s8 =	sadd.s32 $0xFFFFE003, lr  }
0x1b: {  	s9 =	sadd.s32 $0xFFFFFEF7, lr;
	s5 =	simm.s32 $0xFFFFFFFF;
	p2 =	slt.u32 s8, $0xFFFFF086  }
0x1c: {  	p1 =	slt.u32 s9, $0xF7A;
	s5 =	simm.s32 @!p2 $0x0  }
0x1d: {  	s5 =	simm.s32 @p1 $0x1;
	p0 =	seq.s32 s7, s2  }
0x1e: {  	s7 =	smul.u32 @!p0 $0xF7A, s2;
	p2 =	seq.s32 @!p0 s5, $0x0  }
0x1f: {  	s9 =	smul.u32 $0xF7A, s1;
	s8 =	simm.s32 @!p0 $0x1BF5;
	p2 =	por !p2, p0  }
0x20: {  	[sflag:s8] =	ssyncset.s32 @!p0 $0xFFFFF086;
	s6 =	sadd.s32 @!p0 s3, s7;
	s7 =	simm.s32 @!p0 $0x108  }
0x21: {  	s3 =	sadd.s32 s3, s9;
	s6 =	sadd.s32 @!p0 $0x88, s6;
	s7 =	simm.s32 @p2 $0x1082  }
0x22: {  	[simem:s7], [sflag:s8] =	dma.local @!p0 [hbm:s6], $0xF7A  }
0x23: {  	s9 =	sor.u32 $0xD0000000, s2;
	s6 =	simm.s32 $0x108;
	_ =	swait.ge @!p0 [sflag:s8], $0x0  }
0x24: {  	s3 =	sadd.s32 $0x88, s3;
	s6 =	simm.s32 @!p1 $0x1082;
	[sflag:s4] =	ssyncset.s32 $0xFFFFF086  }
0x25: {  	[simem:s6], [sflag:s4] =	dma.local [hbm:s3], $0xF7A  }
0x26: {  	[smem:$0x3F97] =	sst s1;
	(tag) =	ssettag s2;
	_ =	strace s9  }
0x27: {  	s1 =	sld [smem:$0x3FA7]  }
0x28: {  	s2 =	sld [smem:$0x3FA8]  }
0x29: {  	s4 =	sld [smem:$0x3FAA]  }
0x2a: {  	p0 =	seq.s32 s5, $0x0;
	s5 =	sld [smem:$0x3FAB]  }
0x2b: {  	s6 =	sld [smem:$0x3FAC]  }
0x2c: {  	s7 =	sld [smem:$0x3FAD]  }
0x2d: {  	s3 =	simm.s32 $0x108;
	s8 =	sld [smem:$0x3FAE]  }
0x2e: {  	s3 =	simm.s32 @!p0 $0x1082;
	s9 =	sld [smem:$0x3FAF]  }
0x2f: {  	lr =	sadd.s32 s0, s3;
	s0 =	sld [smem:$0x3FA6]  }
0x30: {  	s3 =	sld [smem:$0x3FA9]  }
0x31: {  	[smem:$0x3FB2] =	sst s10  }
0x32: {  	s10 =	sld [smem:$0x3FB0];
	_ =	sdelay $0x3  }
0x33: {  	p0 =	seq.s32 s10, $0x1;
	s10 =	sld [smem:$0x3FB2];
	_ =	sdelay $0x3  }
0x34: {  	[smem:$0x3FB2] =	sst s10  }
0x35: {  	s10 =	sld [smem:$0x3FB1];
	_ =	sdelay $0x3  }
0x36: {  	p1 =	seq.s32 s10, $0x1;
	s10 =	sld [smem:$0x3FB2];
	_ =	sdelay $0x3  }
0x37: {  	[smem:$0x3FB2] =	sst s10  }
0x38: {  	s10 =	sld [smem:$0x3FB3]  }
0x39: {  	_ = 	snop;
	(pc) =	sbr.ind lr, $3  }
0x3a: {  	_ = 	snop  }
0x3b: {  	_ = 	snop  }
0x3c: {  	p2 =	seq.s32 s10, $0x1;
	s10 =	sld [smem:$0x3FB2]  }
0x3d: {  	_ =	shalt  }
0x3e: {  	_ =	shalt  }
0x3f: {  	_ =	shalt  }
0x40: {  	_ =	shalt  }
0x41: {  	_ =	shalt  }
0x42: {  	_ =	shalt  }
0x43: {  	_ =	shalt  }
0x44: {  	_ =	shalt  }
0x45: {  	_ =	shalt  }
0x46: {  	_ =	shalt  }
0x47: {  	_ =	shalt  }
0x48: {  	_ =	shalt  }
0x49: {  	_ =	shalt  }
0x4a: {  	_ =	shalt  }
0x4b: {  	_ =	shalt  }
0x4c: {  	_ =	shalt  }
0x4d: {  	_ =	shalt  }
0x4e: {  	_ =	shalt  }
0x4f: {  	_ =	shalt  }
0x50: {  	_ =	shalt  }
0x51: {  	_ =	shalt  }
0x52: {  	_ =	shalt  }
0x53: {  	_ =	shalt  }
0x54: {  	_ =	shalt  }
0x55: {  	_ =	shalt  }
0x56: {  	_ =	shalt  }
0x57: {  	_ =	shalt  }
0x58: {  	_ =	shalt  }
0x59: {  	_ =	shalt  }
0x5a: {  	_ =	shalt  }
0x5b: {  	_ =	shalt  }
0x5c: {  	_ =	shalt  }
0x5d: {  	_ =	shalt  }
0x5e: {  	_ =	shalt  }
0x5f: {  	_ =	shalt  }
0x60: {  	_ =	shalt  }
0x61: {  	_ =	shalt  }
0x62: {  	_ =	shalt  }
0x63: {  	_ =	shalt  }
0x64: {  	_ =	shalt  }
0x65: {  	_ =	shalt  }
0x66: {  	_ =	shalt  }
0x67: {  	_ =	shalt  }
0x68: {  	_ =	shalt  }
0x69: {  	_ =	shalt  }
0x6a: {  	_ =	shalt  }
0x6b: {  	_ =	shalt  }
0x6c: {  	_ =	shalt  }
0x6d: {  	_ =	shalt  }
0x6e: {  	_ =	shalt  }
0x6f: {  	_ =	shalt  }
0x70: {  	_ =	shalt  }
0x71: {  	_ =	shalt  }
0x72: {  	_ =	shalt  }
0x73: {  	_ =	shalt  }
0x74: {  	_ =	shalt  }
0x75: {  	_ =	shalt  }
0x76: {  	_ =	shalt  }
0x77: {  	_ =	shalt  }
0x78: {  	_ =	shalt  }
0x79: {  	_ =	shalt  }
0x7a: {  	_ =	shalt  }
0x7b: {  	_ =	shalt  }
0x7c: {  	_ =	shalt  }
0x7d: {  	_ =	shalt  }
0x7e: {  	_ =	shalt  }
0x7f: {  	_ =	shalt  }
0x80: {  	_ =	shalt  }
0x81: {  	_ =	shalt  }
0x82: {  	_ =	shalt  }
0x83: {  	_ =	shalt  }
0x84: {  	_ =	shalt  }
0x85: {  	_ =	shalt  }
0x86: {  	_ =	shalt  }
0x87: {  	_ =	shalt  }
.Lfunc_end0:
.L_simem_size_0:
called_computation_lowered:
.L_overlay_start_0:
0x88: {  	s2 =	sld [smem:$0x3FD9]  }
0x89: {  	s3 =	sld [smem:$0x3FFE];
	_ =	sdelay $0x1  }
0x8a: {  	s1 =	srdreg.scid  }
0x8b: {  	s0 =	sand.u32 $0x1, s1  }
0x8c: {  	s17 =	sshll.u32 s0, $0xA;
	s2 =	sadd.s32 s3, s2  }
0x8d: {  	s2 =	sadd.s32 s2, s17  }
0x8e: {  	[smem:$0x3FBE] =	sst s2  }
0x8f: {  	_ = 	snop  }
0x90: {  	s2 =	sld [smem:$0x3FD0];
	(tm) =	ssettm $0x1  }
0x91: {  	s18 =	sld [smem:$0x3FFB];
	_ =	sdelay $0x3  }
0x92: {  	_ =	strace s18  }
0x93: {  	s3 =	sld [smem:$0x3FFC];
	_ =	sdelay $0x3  }
0x94: {  	_ =	strace s3  }
0x95: {  	s3 =	sld [smem:$0x3FFD];
	_ =	sdelay $0x3  }
0x96: {  	_ =	strace s3  }
0x97: {  	_ =	strace $0x8FFFFFFF  }
0x98: {  	s19 =	sld [smem:$0x3FDB];
	_ =	sdelay $0x1  }
0x99: {  	s4 =	simm.s32 $_scs_section_size  }
0x9a: {  	s5 =	simm.s32 $_size__tile_overlayer_lowered;
	s6 =	simm.s32 $_tile_overlayer_lowered  }
0x9b: {  	s22 =	simm.s32 $0x1BFF;
	s21 =	sshll.u32 s6, $0x1;
	s3 =	sadd.s32 s4, s19  }
0x9c: {  	s7 =	simm.s32 $0x0;
	s20 =	sshll.u32 s5, $0x1;
	s5 =	sadd.s32 s21, s3  }
0x9d: {  	[timem:s7], [sflag:s22] =	dma.local [hbm:s5], s20  }
0x9e: {  	_ =	swait.ge [sflag:s22], s20  }
0x9f: {  	s4 =	ssub.s32 $0x0, s20;
	[sflag:s22] =	ssyncset.done $0x0  }
0xa0: {  	[sflag:s22] =	ssyncadd.s32 s4;
	_ =	sdelay $0x1  }
0xa1: {  	s23 =	simm.s32 $0x1B8B  }
0xa2: {  	_ =	swait.ge [sflag:s23], $0x1  }
0xa3: {  	[sflag:s23] =	ssyncset.done $0x0  }
0xa4: {  	s25 =	simm.s32 $0x1B8E;
	s24 =	sld [smem:$0x3FFE];
	[sflag:s23] =	ssyncadd.s32 $0xFFFFFFFF  }
0xa5: {  	s26 =	simm.s32 $execute0_lowered;
	[smem:$0x3FD2] =	sst s25  }
0xa6: {  	s5 =	sshll.u32 s26, $0x1;
	_ =	strace $0x80000046;
	[dreg:$0x1] =	wrdreg $0xFFFFFFFF  }
0xa7: {  	s28 =	simm.s32 $_size_execute0_lowered;
	s3 =	sadd.s32 s3, s5;
	[dreg:$0x0] =	wrdreg $0x0  }
0xa8: {  	s5 =	sshll.u32 s28, $0x1;
	[dreg:$0x2] =	wrdreg s3  }
0xa9: {  	[dreg:$0x3] =	wrdreg s5  }
0xaa: {  	[dreg:$0x4] =	wrdreg $0xC0  }
0xab: {  	_ =	task [dreg:s7], $0x5FFFF  }
0xac: {  	[dreg:$0x1] =	wrdreg $0xFFFFFFFF  }
0xad: {  	[dreg:$0x0] =	wrdreg $0x60  }
0xae: {  	[dreg:$0x2] =	wrdreg s24  }
0xaf: {  	[dreg:$0x3] =	wrdreg s2  }
0xb0: {  	[dreg:$0x4] =	wrdreg $0x170200  }
0xb1: {  	[dreg:$0x5] =	wrdreg $0x1A2700  }
0xb2: {  	[dreg:$0x6] =	wrdreg $0x9  }
0xb3: {  	_ =	task.clear_ibuf [dreg:s7], $0x7FFFF;
	_ =	strace $0x90000046  }
0xb4: {  	s29 =	simm.s32 $0x9;
	_ =	strace $0x80000048  }
0xb5: {  	_ =	swait.ge [sflag:s29], $0x1  }
0xb6: {  	[sflag:s29] =	ssyncadd.s32 $0xFFFFFFFF  }
0xb7: {  	_ =	strace $0x90000048  }
0xb8: {  	_ =	sfence  }
0xb9: {  	s30 =	sld [smem:$0x0];
	_ =	sdelay $0x2  }
0xba: {  	s31 =	sshll.u32 s1, $0xD;
	s1 =	sshrl.u32 s1, $0x2  }
0xbb: {  	s3 =	sand.u32 $0x4000, s31;
	s1 =	sadd.s32 s1, s30  }
0xbc: {  	s0 =	sor.u32 s3, s0;
	s1 =	sshll.u32 s1, $0x11  }
0xbd: {  	s0 =	sor.u32 s1, s0  }
0xbe: {  	s0 =	sadd.s32 $0x8F2B, s0  }
0xbf: {  	[sflag:s0] =	ssyncadd.remote.s32 $0x1  }
0xc0: {  	_ =	sfence.sel $0xFFFF  }
0xc1: {  	[dreg:$0x0] =	wrdreg $0xFFFFFFFF;
	(pc) =	sbr.abs _section_cstart, $3  }
0xc2: {  	[dreg:$0x1] =	wrdreg $0xFFFFFFFF  }
0xc3: {  	_ =	task.clear_ibuf [dreg:s7], $0x2FFFF;
	_ =	strace $0x9FFFFFFF  }
0xc4: {  	(tm) =	ssettm $0x7FFFFFFF  }
0xc5: {  	_ =	shalt  }
tec
execute0_lowered:
.L_overlay_start_1:
0x0: {  	(tag) =	ssettag $0x1  }
0x1: {  	s0 =	rddreg [dreg:$0x0];
	s1 =	srdreg.scid  }
0x2: {  	s8 =	stileid.u32;
	s10 =	rddreg [dreg:$0x1]  }
0x3: {  	s2 =	rddreg [dreg:$0x2];
	s15 =	simm.s32 $0x7;
	s17 =	simm.s32 $0x3  }
0x4: {  	s18 =	simm.s32 $0x4;
	s19 =	simm.s32 $0x7D0;
	s20 =	simm.s32 $0x4E20  }
0x5: {  	s21 =	simm.s32 $0x1;
	s22 =	simm.s32 $0x19820;
	s23 =	simm.s32 $0xCB20  }
0x6: {  	s24 =	simm.s32 $0x2;
	s25 =	simm.s32 $0x2EE0;
	s26 =	simm.s32 $0x5  }
0x7: {  	s29 =	simm.s32 $0x36B0;
	s30 =	simm.s32 $0x6;
	s9 =	smul.u32 $0x280, s8  }
0x8: {  	s1 =	sand.u32 $0x1, s1;
	s3 =	sshll.u32 s8, $0x1;
	s8 =	smul.u32 $0x2800, s8  }
0x9: {  	s14 =	simm.s32 $0x4650;
	s16 =	simm.s32 $0x0;
	s7 =	smul.u32 $0x2800, s1  }
0xa: {  	s4 =	sor.u32 s1, s3;
	s11 =	ssub.s32 $0x2, s1;
	s1 =	smul.u32 $0x28000, s1  }
0xb: {  	s3 =	rddreg [dreg:$0x3];
	s6 =	smul.u32 $0x4E2, s4;
	s4 =	simm.s32 $0x0  }
0xc: {  	s5 =	sadd.s32 $0x15600, s0;
	s31 =	sshrl.u32 s11, $0x1;
	[smem:$0x7FF] =	sst s4  }
0xd: {  	s7 =	sadd.s32 s9, s7;
	s13 =	ssub.s32 s11, s31;
	s1 =	sadd.s32 s8, s1  }
0xe: {  	s8 =	sadd.s32 s8, s2;
	s9 =	sadd.s32 s9, s3;
	_ =	strace $0x80000047  }
0xf: {  	s12 =	sadd.s32 s6, s0;
	s28 =	sshrl.u32 s7, $0x3;
	s1 =	sshrl.u32 s1, $0x3  }
0x10: {  	s0 =	sadd.s32 s28, s0;
	s6 =	sadd.s32 $0xB800, s12;
	s7 =	sadd.s32 $0x1A00, s12  }
0x11: {  	s10 =	sadd.s32 s10, s1;
	s12 =	smax.u32 s13, $0x1;
	s13 =	simm.s32 $0x2710  }
0x12: {  	v0 =	vimm.f32 $0.0e+00;
	v1 =	vimm.f32 $1.000000000e+00;
	s1 =	simm.s32 $0x3E80;
	s11 =	sadd.s32 $0x1A600, s0;
	s0 =	simm.s32 $0x1F40  }
.LBB2_1:
0x13: {  	[tilespmem:s4], [sflag:$0x3] =	stream.linear.gather [hbm4b:s6+s4], $0x2710, $0x38;
	[tilespmem:$0x1A4F0] =	vst v63  }
0x14: {  	s28 =	simm.s32 $0x40;
	s31 =	simm.s32 $0x0  }
0x15: {  	[tilespmem:s13], [sflag:$0x4] =	stream.linear.gather [hbm4b:s7+s4], $0x2710, $0x38;
	[tilespmem:$0x1A4F0] =	vst v63  }
.LBB2_2:
0x16: {  	p0 =	sne.s32 s28, $0x9FC0;
	[tilespmem:s31+$0x14820] =	vst v0;
	s31 =	smov.u32 s28;
	s28 =	sadd.s32 $0x40, s28  }
.Ltmp0:
0x17: {  	(pc) =	sbr.rel @p0 .LBB2_2-.Ltmp0, $2  }
0x18: {  	_ =	sdelay $0x2  }
0x19: {  	s31 =	sshra.s32 s31, $0x2  }
0x1a: {  	[tilespmem:s31+$0x14820] =	vst v0;
	s28 =	simm.s32 $0x14820  }
0x1b: {  	[spmem:s8] =	stream.linear.scatter [tilespmem:s28], [sflag:$0x7], $0x2800, $0x38;
	[tilespmem:$0x1A4F0] =	vst v63  }
0x1c: {  	_ =	swait.ge [sflag:s15], $0x2800  }
0x1d: {  	[sflag:s15] =	ssyncset.done $0x0  }
0x1e: {  	[sflag:s15] =	ssyncadd.s32 $0xFFFFD800  }
0x1f: {  	[tilespmem:$0x19FF0] =	vst v0  }
0x20: {  	[tilespmem:$0x1A000] =	vst v0  }
0x21: {  	[tilespmem:$0x1A010] =	vst v0  }
0x22: {  	[tilespmem:$0x1A020] =	vst v0  }
0x23: {  	[tilespmem:$0x1A030] =	vst v0  }
0x24: {  	[tilespmem:$0x1A040] =	vst v0  }
0x25: {  	[tilespmem:$0x1A050] =	vst v0  }
0x26: {  	[tilespmem:$0x1A060] =	vst v0  }
0x27: {  	[tilespmem:$0x1A070] =	vst v0  }
0x28: {  	[tilespmem:$0x1A080] =	vst v0  }
0x29: {  	[tilespmem:$0x1A090] =	vst v0  }
0x2a: {  	[tilespmem:$0x1A0A0] =	vst v0  }
0x2b: {  	[tilespmem:$0x1A0B0] =	vst v0  }
0x2c: {  	[tilespmem:$0x1A0C0] =	vst v0  }
0x2d: {  	[tilespmem:$0x1A0D0] =	vst v0  }
0x2e: {  	[tilespmem:$0x1A0E0] =	vst v0  }
0x2f: {  	[tilespmem:$0x1A0F0] =	vst v0  }
0x30: {  	[tilespmem:$0x1A100] =	vst v0  }
0x31: {  	[tilespmem:$0x1A110] =	vst v0  }
0x32: {  	[tilespmem:$0x1A120] =	vst v0  }
0x33: {  	[tilespmem:$0x1A130] =	vst v0  }
0x34: {  	[tilespmem:$0x1A140] =	vst v0  }
0x35: {  	[tilespmem:$0x1A150] =	vst v0  }
0x36: {  	[tilespmem:$0x1A160] =	vst v0  }
0x37: {  	[tilespmem:$0x1A170] =	vst v0  }
0x38: {  	[tilespmem:$0x1A180] =	vst v0  }
0x39: {  	[tilespmem:$0x1A190] =	vst v0  }
0x3a: {  	[tilespmem:$0x1A1A0] =	vst v0  }
0x3b: {  	[tilespmem:$0x1A1B0] =	vst v0  }
0x3c: {  	[tilespmem:$0x1A1C0] =	vst v0  }
0x3d: {  	[tilespmem:$0x1A1D0] =	vst v0  }
0x3e: {  	[tilespmem:$0x1A1E0] =	vst v0  }
0x3f: {  	[tilespmem:$0x1A1F0] =	vst v0  }
0x40: {  	[tilespmem:$0x1A200] =	vst v0  }
0x41: {  	[tilespmem:$0x1A210] =	vst v0  }
0x42: {  	[tilespmem:$0x1A220] =	vst v0  }
0x43: {  	[tilespmem:$0x1A230] =	vst v0  }
0x44: {  	[tilespmem:$0x1A240] =	vst v0  }
0x45: {  	[tilespmem:$0x1A250] =	vst v0  }
0x46: {  	s31 =	simm.s32 $0x0;
	s28 =	simm.s32 $0x40;
	[tilespmem:$0x1A260] =	vst v0  }
.LBB2_4:
0x47: {  	p0 =	sne.s32 s28, $0x1F00;
	[tilespmem:s31+$0x19820] =	vst v1;
	s31 =	smov.u32 s28;
	s28 =	sadd.s32 $0x40, s28  }
.Ltmp1:
0x48: {  	(pc) =	sbr.rel @p0 .LBB2_4-.Ltmp1, $2  }
0x49: {  	_ =	sdelay $0x2  }
0x4a: {  	s31 =	sshra.s32 s31, $0x2  }
0x4b: {  	[tilespmem:s31+$0x19820] =	vst v1;
	s28 =	simm.s32 $0x19FF0  }
0x4c: {  	[spmem:s9] =	stream.linear.scatter [tilespmem:s28], [sflag:$0x7], $0x280, $0x38;
	[tilespmem:$0x1A4F0] =	vst v63  }
0x4d: {  	_ =	swait.ge [sflag:s15], $0x280  }
0x4e: {  	[sflag:s15] =	ssyncset.done $0x0  }
0x4f: {  	[sflag:s15] =	ssyncadd.s32 $0xFFFFFD80  }
0x50: {  	[bflag:$0x0] =	sbarrier.arrive $0xFFFF  }
0x51: {  	_ =	swait.ge [sflag:s17], $0x2710  }
0x52: {  	[sflag:s17] =	ssyncset.done $0x0  }
0x53: {  	[sflag:s17] =	ssyncadd.s32 $0xFFFFD8F0  }
0x54: {  	_ =	swait.ge [sflag:s18], $0x2710  }
0x55: {  	[sflag:s18] =	ssyncset.done $0x0  }
0x56: {  	[sflag:s18] =	ssyncadd.s32 $0xFFFFD8F0  }
0x57: {  	[tilespmem:s20], [sflag:$0x1] =	stream.indirect.gather [hbm4b:s5+s19], $0x10, s4, s19, $0xb8;
	[tilespmem:$0x1A4F0] =	vst v63  }
0x58: {  	_ =	swait.ge [sflag:s21], $0x7D00  }
0x59: {  	[sflag:s21] =	ssyncset.done $0x0  }
0x5a: {  	[sflag:s21] =	ssyncadd.s32 $0xFFFF8300  }
0x5b: {  	[spmem:s2] =	stream.indirect.scatter.add.f32 [tilespmem:s20], [sflag:$0x3], $0x10, s13, s19, $0xb8;
	[tilespmem:$0x1A4F0] =	vst v63  }
0x5c: {  	_ = 	snop  }
0x5d: {  	[spmem:s3] =	stream.indirect.scatter.add.f32 [tilespmem:s22], [sflag:$0x5], $0x1, s13, s19, $0xb8;
	[tilespmem:$0x1A4F0] =	vst v63  }
0x5e: {  	_ = 	snop  }
0x5f: {  	[tilespmem:s23], [sflag:$0x2] =	stream.indirect.gather [hbm4b:s5+s19], $0x10, s19, s19, $0xb8;
	[tilespmem:$0x1A4F0] =	vst v63  }
0x60: {  	_ =	swait.ge [sflag:s24], $0x7D00  }
0x61: {  	[sflag:s24] =	ssyncset.done $0x0  }
0x62: {  	[sflag:s24] =	ssyncadd.s32 $0xFFFF8300  }
0x63: {  	[spmem:s2] =	stream.indirect.scatter.add.f32 [tilespmem:s23], [sflag:$0x4], $0x10, s25, s19, $0xb8;
	[tilespmem:$0x1A4F0] =	vst v63  }
0x64: {  	_ = 	snop  }
0x65: {  	[spmem:s3] =	stream.indirect.scatter.add.f32 [tilespmem:s22], [sflag:$0x6], $0x1, s25, s19, $0xb8;
	[tilespmem:$0x1A4F0] =	vst v63  }
0x66: {  	_ =	swait.ge [sflag:s17], $0x7D00  }
0x67: {  	[sflag:s17] =	ssyncset.done $0x0  }
0x68: {  	[sflag:s17] =	ssyncadd.s32 $0xFFFF8300  }
0x69: {  	_ =	swait.ge [sflag:s26], $0x7D0  }
0x6a: {  	[sflag:s26] =	ssyncset.done $0x0  }
0x6b: {  	s31 =	simm.s32 $0xFA0;
	[sflag:s26] =	ssyncadd.s32 $0xFFFFF830  }
0x6c: {  	[tilespmem:s20], [sflag:$0x1] =	stream.indirect.gather [hbm4b:s5+s19], $0x10, s31, s19, $0xb8;
	[tilespmem:$0x1A4F0] =	vst v63  }
0x6d: {  	_ =	swait.ge [sflag:s21], $0x7D00  }
0x6e: {  	[sflag:s21] =	ssyncset.done $0x0  }
0x6f: {  	[sflag:s21] =	ssyncadd.s32 $0xFFFF8300  }
0x70: {  	[spmem:s2] =	stream.indirect.scatter.add.f32 [tilespmem:s20], [sflag:$0x3], $0x10, s29, s19, $0xb8;
	[tilespmem:$0x1A4F0] =	vst v63  }
0x71: {  	_ = 	snop  }
0x72: {  	[spmem:s3] =	stream.indirect.scatter.add.f32 [tilespmem:s22], [sflag:$0x5], $0x1, s29, s19, $0xb8;
	[tilespmem:$0x1A4F0] =	vst v63  }
0x73: {  	_ =	swait.ge [sflag:s18], $0x7D00  }
0x74: {  	[sflag:s18] =	ssyncset.done $0x0  }
0x75: {  	[sflag:s18] =	ssyncadd.s32 $0xFFFF8300  }
0x76: {  	_ =	swait.ge [sflag:s30], $0x7D0  }
0x77: {  	[sflag:s30] =	ssyncset.done $0x0  }
0x78: {  	s31 =	simm.s32 $0x1770;
	[sflag:s30] =	ssyncadd.s32 $0xFFFFF830  }
0x79: {  	[tilespmem:s23], [sflag:$0x2] =	stream.indirect.gather [hbm4b:s5+s19], $0x10, s31, s19, $0xb8;
	[tilespmem:$0x1A4F0] =	vst v63  }
0x7a: {  	_ =	swait.ge [sflag:s24], $0x7D00  }
0x7b: {  	[sflag:s24] =	ssyncset.done $0x0  }
0x7c: {  	[sflag:s24] =	ssyncadd.s32 $0xFFFF8300  }
0x7d: {  	[spmem:s2] =	stream.indirect.scatter.add.f32 [tilespmem:s23], [sflag:$0x4], $0x10, s1, s19, $0xb8;
	[tilespmem:$0x1A4F0] =	vst v63  }
0x7e: {  	_ = 	snop  }
0x7f: {  	[spmem:s3] =	stream.indirect.scatter.add.f32 [tilespmem:s22], [sflag:$0x6], $0x1, s1, s19, $0xb8;
	[tilespmem:$0x1A4F0] =	vst v63  }
0x80: {  	_ =	swait.ge [sflag:s17], $0x7D00  }
0x81: {  	[sflag:s17] =	ssyncset.done $0x0  }
0x82: {  	[sflag:s17] =	ssyncadd.s32 $0xFFFF8300  }
0x83: {  	_ =	swait.ge [sflag:s26], $0x7D0  }
0x84: {  	[sflag:s26] =	ssyncset.done $0x0  }
0x85: {  	[sflag:s26] =	ssyncadd.s32 $0xFFFFF830  }
0x86: {  	[tilespmem:s20], [sflag:$0x1] =	stream.indirect.gather [hbm4b:s5+s19], $0x10, s0, s19, $0xb8;
	[tilespmem:$0x1A4F0] =	vst v63  }
0x87: {  	_ =	swait.ge [sflag:s21], $0x7D00  }
0x88: {  	[sflag:s21] =	ssyncset.done $0x0  }
0x89: {  	[sflag:s21] =	ssyncadd.s32 $0xFFFF8300  }
0x8a: {  	[spmem:s2] =	stream.indirect.scatter.add.f32 [tilespmem:s20], [sflag:$0x3], $0x10, s14, s19, $0xb8;
	[tilespmem:$0x1A4F0] =	vst v63  }
0x8b: {  	_ = 	snop  }
0x8c: {  	[spmem:s3] =	stream.indirect.scatter.add.f32 [tilespmem:s22], [sflag:$0x5], $0x1, s14, s19, $0xb8;
	[tilespmem:$0x1A4F0] =	vst v63  }
0x8d: {  	_ =	swait.ge [sflag:s17], $0x7D00  }
0x8e: {  	[sflag:s17] =	ssyncset.done $0x0  }
0x8f: {  	[sflag:s17] =	ssyncadd.s32 $0xFFFF8300  }
0x90: {  	_ =	swait.ge [sflag:s18], $0x7D00  }
0x91: {  	[sflag:s18] =	ssyncset.done $0x0  }
0x92: {  	[sflag:s18] =	ssyncadd.s32 $0xFFFF8300  }
0x93: {  	_ =	swait.ge [sflag:s26], $0x7D0  }
0x94: {  	[sflag:s26] =	ssyncset.done $0x0  }
0x95: {  	[sflag:s26] =	ssyncadd.s32 $0xFFFFF830  }
0x96: {  	_ =	swait.ge [sflag:s30], $0x7D0  }
0x97: {  	s31 =	stileid.u32;
	[sflag:s30] =	ssyncset.done $0x0  }
0x98: {  	s28 =	sshll.u32 s31, $0x6;
	[sflag:s30] =	ssyncadd.s32 $0xFFFFF830  }
0x99: {  	s31 =	sshrl.u32 s8, $0x3;
	s28 =	sor.u32 $0x1C07, s28;
	[bflag:$0x0] =	sbarrier.arrive $0xFFFF  }
0x9a: {  	[hbm:s10], [sflag:s28] =	dma.local [spmem:s31], $0x500  }
0x9b: {  	s16 =	sadd.s32 $0x1, s16;
	_ =	swait.ge [sflag:s15], $0x500  }
0x9c: {  	p0 =	sne.s32 s16, s12;
	[sflag:s15] =	ssyncset.done $0x0  }
.Ltmp2:
0x9d: {  	s31 =	sshrl.u32 s9, $0x3;
	[sflag:s15] =	ssyncadd.s32 $0xFFFFFB00;
	(pc) =	sbr.rel @p0 .LBB2_1-.Ltmp2, $4  }
0x9e: {  	[hbm:s11], [sflag:s28] =	dma.local [spmem:s31], $0x50  }
0x9f: {  	_ =	swait.ge [sflag:s15], $0x50  }
0xa0: {  	[sflag:s15] =	ssyncset.done $0x0  }
0xa1: {  	[sflag:s15] =	ssyncadd.s32 $0xFFFFFFB0  }
0xa2: {  	_ =	sfence.sel $0x180000  }
0xa3: {  	[bflag:$0x0] =	sbarrier.arrive $0xFFFF  }
0xa4: {  	_ =	strace $0x90000047  }
0xa5: {  	s0 =	stileid.u32;
	[bflag:$0x2] =	sbarrier.arrive $0xFFFF  }
0xa6: {  	p0 =	sne.s32 s0, $0x0;
	s0 =	rddreg [dreg:$0x4]  }
0xa7: {  	s0 =	sadd.s32 @!p0 $0x100000, s0  }
0xa8: {  	[sflag:s0] =	ssyncadd.tile.s32 @!p0 $0x1;
	_ =	shalt  }
.Lfunc_end2:
_tile_overlayer_lowered:
.L_overlay_start_2:
0xa9: {  	(tag) =	ssettag $0x2  }
0xaa: {  	s0 =	rddreg [dreg:$0x0];
	s2 =	stileid.u32  }
0xab: {  	s1 =	rddreg [dreg:$0x1];
	p0 =	sne.s32 s2, $0x0  }
0xac: {  	s3 =	rddreg [dreg:$0x2];
	[bflag:$0x3] =	sbarrier.arrive $0xFFFF;
	s2 =	simm.s32 @!p0 $0x1C07  }
0xad: {  	[timem:s3], [sflag:s2] =	dma.local @!p0 [hbm:s0], s1  }
0xae: {  	s0 =	simm.s32 @!p0 $0x7  }
0xaf: {  	_ =	swait.ge @!p0 [sflag:s0], s1  }
0xb0: {  	s1 =	ssub.s32 @!p0 $0x0, s1;
	[sflag:s0] =	ssyncset.done @!p0 $0x0  }
0xb1: {  	[sflag:s0] =	ssyncadd.s32 @!p0 s1  }
0xb2: {  	[bflag:$0x3] =	sbarrier.arrive $0xFFFF  }
0xb3: {  	_ =	shalt  }

</sc_bundles>
